<compile_context>
chip_gen: v7x
topology: tpu7x:2x2x1
jax: 0.10.2.dev20260603
libtpu: 0.0.44.dev20260713+nightly
codegen_flags: <defaults>
</compile_context>

<pallas_src>
import functools

import jax
import jax.numpy as jnp
from jax import lax
from jax.experimental import pallas as pl
from jax.experimental.pallas import tpu as pltpu
from jax.experimental.pallas import tpu_sc as plsc

N = 8192
NW = 32
RPW = N // NW
LANES = 16
NCH = RPW // LANES
SUP = 8
_GATHER_DNUMS = lax.GatherDimensionNumbers(
    offset_dims=(), collapsed_slice_dims=(0,), start_index_map=(0,))


def _lane_bcast(vec, iv):
    return lax.gather(vec, iv[:, None], _GATHER_DNUMS, (1,),
                      mode=lax.GatherScatterMode.PROMISE_IN_BOUNDS)


def _bf16_round(x):
    u = lax.bitcast_convert_type(x, jnp.uint32)
    r = u + jnp.uint32(0x7FFF) + ((u >> jnp.uint32(16)) & jnp.uint32(1))
    r = r & jnp.uint32(0xFFFF0000)
    return lax.bitcast_convert_type(r, jnp.float32)


def _fill_r(xv, yv, zv, rv):
    def body(k, carry):
        b = k * LANES
        xs = xv[pl.ds(b, LANES)]
        ys = yv[pl.ds(b, LANES)]
        zs = zv[pl.ds(b, LANES)]
        rv[pl.ds(b, LANES)] = xs * xs + ys * ys + zs * zs
        xv[pl.ds(b, LANES)] = _bf16_round(xs)
        yv[pl.ds(b, LANES)] = _bf16_round(ys)
        zv[pl.ds(b, LANES)] = _bf16_round(zs)
        return carry
    lax.fori_loop(0, N // LANES, body, 0)


def _scan_pass(cx, cy, cz, cr, rx, ry, rz, rr, out_v, cm_v, row0):
    inf_v = jnp.full((LANES,), jnp.inf, jnp.float32)

    def init_body(k, carry):
        cm_v[pl.ds(k * LANES, LANES)] = inf_v
        return carry
    lax.fori_loop(0, N // LANES, init_body, 0)

    lane_ids = lax.iota(jnp.int32, LANES)

    for s in range(NCH // SUP):
        rows = []
        rnorm = []
        for c in range(SUP):
            b = row0 + (s * SUP + c) * LANES
            rows.append((rx[pl.ds(b, LANES)] * -2.0,
                         ry[pl.ds(b, LANES)] * -2.0,
                         rz[pl.ds(b, LANES)] * -2.0))
            rnorm.append(rr[pl.ds(b, LANES)])

        def body(jb, ms):
            b = jb * LANES
            cxv = cx[pl.ds(b, LANES)]
            cyv = cy[pl.ds(b, LANES)]
            czv = cz[pl.ds(b, LANES)]
            crv = cr[pl.ds(b, LANES)]

            def lane_body(l, carry):
                ms2 = carry[:SUP]
                cmv = carry[SUP]
                iv = jnp.full((LANES,), l, jnp.int32)
                bx = _lane_bcast(cxv, iv)
                by = _lane_bcast(cyv, iv)
                bz = _lane_bcast(czv, iv)
                bc = _lane_bcast(crv, iv)
                out = []
                full = []
                for c in range(SUP):
                    xs, ys, zs = rows[c]
                    v = bc + xs * bx + ys * by + zs * bz
                    out.append(jnp.minimum(ms2[c], v))
                    full.append(v + rnorm[c])
                while len(full) > 1:
                    full = [jnp.minimum(full[i], full[i + 1])
                            for i in range(0, len(full), 2)]
                hvv = full[0]
                for k in (8, 4, 2, 1):
                    hvv = jnp.minimum(hvv, _lane_bcast(hvv, lane_ids ^ k))
                cmv = jnp.minimum(
                    cmv, jnp.where(lane_ids == iv, hvv, jnp.inf))
                return tuple(out) + (cmv,)

            carry = lax.fori_loop(0, LANES, lane_body,
                                  tuple(ms) + (inf_v,), unroll=2)
            cm_v[pl.ds(b, LANES)] = jnp.minimum(cm_v[pl.ds(b, LANES)],
                                                carry[SUP])
            return carry[:SUP]

        init = tuple(inf_v for _ in range(SUP))
        ms = lax.fori_loop(0, N // LANES, body, init)
        for c in range(SUP):
            ri = rr[pl.ds(row0 + (s * SUP + c) * LANES, LANES)]
            out_v[pl.ds((s * SUP + c) * LANES, LANES)] = ri + ms[c]


@functools.partial(
    pl.kernel,
    mesh=plsc.VectorSubcoreMesh(core_axis_name="c", subcore_axis_name="s"),
    out_type=[jax.ShapeDtypeStruct((N,), jnp.float32),
              jax.ShapeDtypeStruct((NW * N,), jnp.float32)],
    scratch_types=[pltpu.VMEM((N,), jnp.float32) for _ in range(9)]
                  + [pltpu.VMEM((RPW,), jnp.float32)],
)
def _chamfer_sc(px_hbm, py_hbm, pz_hbm, tx_hbm, ty_hbm, tz_hbm,
                fwd_hbm, cm_hbm,
                px, py, pz, tx, ty, tz, rp, rt, cmv, outf):
    wid = lax.axis_index("s") * 2 + lax.axis_index("c")
    base = wid * RPW
    pltpu.sync_copy(px_hbm, px)
    pltpu.sync_copy(py_hbm, py)
    pltpu.sync_copy(pz_hbm, pz)
    pltpu.sync_copy(tx_hbm, tx)
    pltpu.sync_copy(ty_hbm, ty)
    pltpu.sync_copy(tz_hbm, tz)
    _fill_r(px, py, pz, rp)
    _fill_r(tx, ty, tz, rt)
    _scan_pass(tx, ty, tz, rt, px, py, pz, rp, outf, cmv, base)
    pltpu.sync_copy(outf, fwd_hbm.at[pl.ds(base, RPW)])
    pltpu.sync_copy(cmv, cm_hbm.at[pl.ds(wid * N, N)])


def _finish_body(f_ref, cm_ref, o_ref):
    f = f_ref[...]
    b = jnp.min(cm_ref[...], axis=0, keepdims=True)
    s1 = jnp.sum(jnp.sqrt(jnp.maximum(f, 1e-12)))
    s2 = jnp.sum(jnp.sqrt(jnp.maximum(b, 1e-12)))
    o_ref[...] = jnp.full((1, 1), (s1 + s2) * (1.0 / N), jnp.float32)


def kernel(predicted_set, target_set):
    pt = predicted_set.T
    tt = target_set.T
    fwd2, cmflat = _chamfer_sc(pt[0], pt[1], pt[2], tt[0], tt[1], tt[2])
    out = pl.pallas_call(
        _finish_body,
        out_shape=jax.ShapeDtypeStruct((1, 1), jnp.float32),
    )(fwd2.reshape(64, 128), cmflat.reshape(NW, N))
    return out[0, 0]

# --- scband reference (transcript-rebuilt; emitter-appended) ---
"""Pipeline reference for scband-chamfer-distance-loss-2241972929056 (READ-ONLY COPY).

The authoritative reference and input builder live on the scoring server;
editing this copy changes nothing except your own understanding.
"""

import jax, jax.numpy as jnp
import numpy as np


def setup_inputs(seed: int = 0) -> dict:
    key = jax.random.key(seed)
    k1, k2 = jax.random.split(key)
    predicted_set = jax.random.normal(k1, (8192, 3), dtype=jnp.float32)
    target_set = jax.random.normal(k2, (8192, 3), dtype=jnp.float32)
    return {"predicted_set": predicted_set, "target_set": target_set}


def _cdist(a, b):
    # Euclidean pairwise distance, matching torch.cdist(p=2)
    a2 = jnp.sum(a * a, axis=1)[:, None]
    b2 = jnp.sum(b * b, axis=1)[None, :]
    d2 = a2 + b2 - 2.0 * (a @ b.T)
    return jnp.sqrt(jnp.maximum(d2, 1e-12))


def reference(predicted_set, target_set):
    pairwise_distance = _cdist(predicted_set, target_set)
    forward_distance = jnp.min(pairwise_distance, axis=1)
    backward_distance = jnp.min(pairwise_distance, axis=0)
    return jnp.mean(forward_distance) + jnp.mean(backward_distance)

if __name__ == "__main__":
    import jax
    _d = setup_inputs()
    print(jax.jit(kernel)(*tuple(_d.values())))

</pallas_src>

<mosaic_0001>
#map = affine_map<(d0, d1) -> (0)>
module attributes {stable_mosaic.version = 14 : i64} {
  func.func @_chamfer_sc(%arg0: i32, %arg1: i32, %arg2: memref<8192xf32, #tpu.memory_space<hbm>>, %arg3: memref<8192xf32, #tpu.memory_space<hbm>>, %arg4: memref<8192xf32, #tpu.memory_space<hbm>>, %arg5: memref<8192xf32, #tpu.memory_space<hbm>>, %arg6: memref<8192xf32, #tpu.memory_space<hbm>>, %arg7: memref<8192xf32, #tpu.memory_space<hbm>>, %arg8: memref<8192xf32, #tpu.memory_space<hbm>>, %arg9: memref<262144xf32, #tpu.memory_space<hbm>>, %arg10: memref<8192xf32, #tpu.memory_space<vmem>>, %arg11: memref<8192xf32, #tpu.memory_space<vmem>>, %arg12: memref<8192xf32, #tpu.memory_space<vmem>>, %arg13: memref<8192xf32, #tpu.memory_space<vmem>>, %arg14: memref<8192xf32, #tpu.memory_space<vmem>>, %arg15: memref<8192xf32, #tpu.memory_space<vmem>>, %arg16: memref<8192xf32, #tpu.memory_space<vmem>>, %arg17: memref<8192xf32, #tpu.memory_space<vmem>>, %arg18: memref<8192xf32, #tpu.memory_space<vmem>>, %arg19: memref<256xf32, #tpu.memory_space<vmem>>) attributes {dimension_semantics = [#tpu.dimension_semantics<core_parallel>, #tpu.dimension_semantics<subcore_parallel>], iteration_bounds = array<i64: 2, 16>, scalar_prefetch = 0 : i64, scratch_operands = 10 : i64, tpu.core_type = #tpu.core_type<sc_vector_subcore>, window_params = [{transform_indices = #map}, {transform_indices = #map}, {transform_indices = #map}, {transform_indices = #map}, {transform_indices = #map}, {transform_indices = #map}, {transform_indices = #map}, {transform_indices = #map}]} {
    %mul3A = arith.constant 2 : i32
    %mul3A_0 = arith.muli %arg1, %mul3A : i32
    %add3A = arith.addi %mul3A_0, %arg0 : i32
    %mul3A_1 = arith.constant 256 : i32
    %mul3A_2 = arith.muli %add3A, %mul3A_1 : i32
    "tpu.region"() ({
      %run_scoped3A = tpu.sem_alloc : memref<!tpu.dma_semaphore, #tpu.memory_space<semaphore_mem>>
      tpu.enqueue_dma source(%arg2 : memref<8192xf32, #tpu.memory_space<hbm>>) target(%arg10 : memref<8192xf32, #tpu.memory_space<vmem>>) target_semaphore(%run_scoped3A : memref<!tpu.dma_semaphore, #tpu.memory_space<semaphore_mem>>)
      tpu.wait_dma2 semaphore(%run_scoped3A : memref<!tpu.dma_semaphore, #tpu.memory_space<semaphore_mem>>) src(%arg2 : memref<8192xf32, #tpu.memory_space<hbm>>) dst(%arg10 : memref<8192xf32, #tpu.memory_space<vmem>>)
      tpu.yield
    }) : () -> ()
    "tpu.region"() ({
      %run_scoped3A = tpu.sem_alloc : memref<!tpu.dma_semaphore, #tpu.memory_space<semaphore_mem>>
      tpu.enqueue_dma source(%arg3 : memref<8192xf32, #tpu.memory_space<hbm>>) target(%arg11 : memref<8192xf32, #tpu.memory_space<vmem>>) target_semaphore(%run_scoped3A : memref<!tpu.dma_semaphore, #tpu.memory_space<semaphore_mem>>)
      tpu.wait_dma2 semaphore(%run_scoped3A : memref<!tpu.dma_semaphore, #tpu.memory_space<semaphore_mem>>) src(%arg3 : memref<8192xf32, #tpu.memory_space<hbm>>) dst(%arg11 : memref<8192xf32, #tpu.memory_space<vmem>>)
      tpu.yield
    }) : () -> ()
    "tpu.region"() ({
      %run_scoped3A = tpu.sem_alloc : memref<!tpu.dma_semaphore, #tpu.memory_space<semaphore_mem>>
      tpu.enqueue_dma source(%arg4 : memref<8192xf32, #tpu.memory_space<hbm>>) target(%arg12 : memref<8192xf32, #tpu.memory_space<vmem>>) target_semaphore(%run_scoped3A : memref<!tpu.dma_semaphore, #tpu.memory_space<semaphore_mem>>)
      tpu.wait_dma2 semaphore(%run_scoped3A : memref<!tpu.dma_semaphore, #tpu.memory_space<semaphore_mem>>) src(%arg4 : memref<8192xf32, #tpu.memory_space<hbm>>) dst(%arg12 : memref<8192xf32, #tpu.memory_space<vmem>>)
      tpu.yield
    }) : () -> ()
    "tpu.region"() ({
      %run_scoped3A = tpu.sem_alloc : memref<!tpu.dma_semaphore, #tpu.memory_space<semaphore_mem>>
      tpu.enqueue_dma source(%arg5 : memref<8192xf32, #tpu.memory_space<hbm>>) target(%arg13 : memref<8192xf32, #tpu.memory_space<vmem>>) target_semaphore(%run_scoped3A : memref<!tpu.dma_semaphore, #tpu.memory_space<semaphore_mem>>)
      tpu.wait_dma2 semaphore(%run_scoped3A : memref<!tpu.dma_semaphore, #tpu.memory_space<semaphore_mem>>) src(%arg5 : memref<8192xf32, #tpu.memory_space<hbm>>) dst(%arg13 : memref<8192xf32, #tpu.memory_space<vmem>>)
      tpu.yield
    }) : () -> ()
    "tpu.region"() ({
      %run_scoped3A = tpu.sem_alloc : memref<!tpu.dma_semaphore, #tpu.memory_space<semaphore_mem>>
      tpu.enqueue_dma source(%arg6 : memref<8192xf32, #tpu.memory_space<hbm>>) target(%arg14 : memref<8192xf32, #tpu.memory_space<vmem>>) target_semaphore(%run_scoped3A : memref<!tpu.dma_semaphore, #tpu.memory_space<semaphore_mem>>)
      tpu.wait_dma2 semaphore(%run_scoped3A : memref<!tpu.dma_semaphore, #tpu.memory_space<semaphore_mem>>) src(%arg6 : memref<8192xf32, #tpu.memory_space<hbm>>) dst(%arg14 : memref<8192xf32, #tpu.memory_space<vmem>>)
      tpu.yield
    }) : () -> ()
    "tpu.region"() ({
      %run_scoped3A = tpu.sem_alloc : memref<!tpu.dma_semaphore, #tpu.memory_space<semaphore_mem>>
      tpu.enqueue_dma source(%arg7 : memref<8192xf32, #tpu.memory_space<hbm>>) target(%arg15 : memref<8192xf32, #tpu.memory_space<vmem>>) target_semaphore(%run_scoped3A : memref<!tpu.dma_semaphore, #tpu.memory_space<semaphore_mem>>)
      tpu.wait_dma2 semaphore(%run_scoped3A : memref<!tpu.dma_semaphore, #tpu.memory_space<semaphore_mem>>) src(%arg7 : memref<8192xf32, #tpu.memory_space<hbm>>) dst(%arg15 : memref<8192xf32, #tpu.memory_space<vmem>>)
      tpu.yield
    }) : () -> ()
    %scan3A = arith.constant 0 : i32
    %scan3A_3 = arith.constant 0 : i32
    %scan3A_4 = arith.constant 512 : i32
    %scan3A_5 = arith.addi %scan3A_3, %scan3A_4 : i32
    %scan3A_6 = arith.constant 1 : i32
    scf.for %scan3A_561 = %scan3A_3 to %scan3A_5 step %scan3A_6  : i32 {
      %mul3A_562 = arith.constant 16 : i32
      %mul3A_563 = arith.muli %scan3A_561, %mul3A_562 : i32
      %get3A_564 = arith.index_cast %mul3A_563 : i32 to index
      %get3A_565 = tpu.vector_load %arg10[%get3A_564] {strides = array<i32>} : memref<8192xf32, #tpu.memory_space<vmem>>, vector<16xf32>,
      %get3A_566 = vector.shape_cast %get3A_565 : vector<16xf32> to vector<16xf32>
      %get3A_567 = arith.index_cast %mul3A_563 : i32 to index
      %get3A_568 = tpu.vector_load %arg11[%get3A_567] {strides = array<i32>} : memref<8192xf32, #tpu.memory_space<vmem>>, vector<16xf32>,
      %get3A_569 = vector.shape_cast %get3A_568 : vector<16xf32> to vector<16xf32>
      %get3A_570 = arith.index_cast %mul3A_563 : i32 to index
      %get3A_571 = tpu.vector_load %arg12[%get3A_570] {strides = array<i32>} : memref<8192xf32, #tpu.memory_space<vmem>>, vector<16xf32>,
      %get3A_572 = vector.shape_cast %get3A_571 : vector<16xf32> to vector<16xf32>
      %mul3A_573 = arith.mulf %get3A_566, %get3A_566 : vector<16xf32>
      %mul3A_574 = arith.mulf %get3A_569, %get3A_569 : vector<16xf32>
      %add3A_575 = arith.addf %mul3A_573, %mul3A_574 : vector<16xf32>
      %mul3A_576 = arith.mulf %get3A_572, %get3A_572 : vector<16xf32>
      %add3A_577 = arith.addf %add3A_575, %mul3A_576 : vector<16xf32>
      %swap3A_578 = arith.index_cast %mul3A_563 : i32 to index
      %swap3A_579 = tpu.vector_load %arg16[%swap3A_578] {strides = array<i32>} : memref<8192xf32, #tpu.memory_space<vmem>>, vector<16xf32>,
      %swap3A_580 = vector.shape_cast %swap3A_579 : vector<16xf32> to vector<16xf32>
      %swap3A_581 = vector.shape_cast %add3A_577 : vector<16xf32> to vector<16xf32>
      tpu.vector_store %arg16[%swap3A_578], %swap3A_581 {strides = array<i32>} : memref<8192xf32, #tpu.memory_space<vmem>>, vector<16xf32>,
      %bitcast_convert_type3A = tpu.bitcast %get3A_566 : vector<16xf32> -> vector<16xi32>
      %add3A_582 = arith.constant 32767 : i32
      %add3A_583 = vector.broadcast %add3A_582 : i32 to vector<16xi32>
      %add3A_584 = arith.addi %bitcast_convert_type3A, %add3A_583 : vector<16xi32>
      %shift_right_logical3A = arith.constant 16 : i32
      %shift_right_logical3A_585 = vector.broadcast %shift_right_logical3A : i32 to vector<16xi32>
      %shift_right_logical3A_586 = arith.shrui %bitcast_convert_type3A, %shift_right_logical3A_585 : vector<16xi32>
      %and3A = arith.constant 1 : i32
      %and3A_587 = vector.broadcast %and3A : i32 to vector<16xi32>
      %and3A_588 = arith.andi %shift_right_logical3A_586, %and3A_587 : vector<16xi32>
      %add3A_589 = arith.addi %add3A_584, %and3A_588 : vector<16xi32>
      %and3A_590 = arith.constant -65536 : i32
      %and3A_591 = vector.broadcast %and3A_590 : i32 to vector<16xi32>
      %and3A_592 = arith.andi %add3A_589, %and3A_591 : vector<16xi32>
      %bitcast_convert_type3A_593 = tpu.bitcast %and3A_592 : vector<16xi32> -> vector<16xf32>
      %swap3A_594 = arith.index_cast %mul3A_563 : i32 to index
      %swap3A_595 = tpu.vector_load %arg10[%swap3A_594] {strides = array<i32>} : memref<8192xf32, #tpu.memory_space<vmem>>, vector<16xf32>,
      %swap3A_596 = vector.shape_cast %swap3A_595 : vector<16xf32> to vector<16xf32>
      %swap3A_597 = vector.shape_cast %bitcast_convert_type3A_593 : vector<16xf32> to vector<16xf32>
      tpu.vector_store %arg10[%swap3A_594], %swap3A_597 {strides = array<i32>} : memref<8192xf32, #tpu.memory_space<vmem>>, vector<16xf32>,
      %bitcast_convert_type3A_598 = tpu.bitcast %get3A_569 : vector<16xf32> -> vector<16xi32>
      %add3A_599 = arith.constant 32767 : i32
      %add3A_600 = vector.broadcast %add3A_599 : i32 to vector<16xi32>
      %add3A_601 = arith.addi %bitcast_convert_type3A_598, %add3A_600 : vector<16xi32>
      %shift_right_logical3A_602 = arith.constant 16 : i32
      %shift_right_logical3A_603 = vector.broadcast %shift_right_logical3A_602 : i32 to vector<16xi32>
      %shift_right_logical3A_604 = arith.shrui %bitcast_convert_type3A_598, %shift_right_logical3A_603 : vector<16xi32>
      %and3A_605 = arith.constant 1 : i32
      %and3A_606 = vector.broadcast %and3A_605 : i32 to vector<16xi32>
      %and3A_607 = arith.andi %shift_right_logical3A_604, %and3A_606 : vector<16xi32>
      %add3A_608 = arith.addi %add3A_601, %and3A_607 : vector<16xi32>
      %and3A_609 = arith.constant -65536 : i32
      %and3A_610 = vector.broadcast %and3A_609 : i32 to vector<16xi32>
      %and3A_611 = arith.andi %add3A_608, %and3A_610 : vector<16xi32>
      %bitcast_convert_type3A_612 = tpu.bitcast %and3A_611 : vector<16xi32> -> vector<16xf32>
      %swap3A_613 = arith.index_cast %mul3A_563 : i32 to index
      %swap3A_614 = tpu.vector_load %arg11[%swap3A_613] {strides = array<i32>} : memref<8192xf32, #tpu.memory_space<vmem>>, vector<16xf32>,
      %swap3A_615 = vector.shape_cast %swap3A_614 : vector<16xf32> to vector<16xf32>
      %swap3A_616 = vector.shape_cast %bitcast_convert_type3A_612 : vector<16xf32> to vector<16xf32>
      tpu.vector_store %arg11[%swap3A_613], %swap3A_616 {strides = array<i32>} : memref<8192xf32, #tpu.memory_space<vmem>>, vector<16xf32>,
      %bitcast_convert_type3A_617 = tpu.bitcast %get3A_572 : vector<16xf32> -> vector<16xi32>
      %add3A_618 = arith.constant 32767 : i32
      %add3A_619 = vector.broadcast %add3A_618 : i32 to vector<16xi32>
      %add3A_620 = arith.addi %bitcast_convert_type3A_617, %add3A_619 : vector<16xi32>
      %shift_right_logical3A_621 = arith.constant 16 : i32
      %shift_right_logical3A_622 = vector.broadcast %shift_right_logical3A_621 : i32 to vector<16xi32>
      %shift_right_logical3A_623 = arith.shrui %bitcast_convert_type3A_617, %shift_right_logical3A_622 : vector<16xi32>
      %and3A_624 = arith.constant 1 : i32
      %and3A_625 = vector.broadcast %and3A_624 : i32 to vector<16xi32>
      %and3A_626 = arith.andi %shift_right_logical3A_623, %and3A_625 : vector<16xi32>
      %add3A_627 = arith.addi %add3A_620, %and3A_626 : vector<16xi32>
      %and3A_628 = arith.constant -65536 : i32
      %and3A_629 = vector.broadcast %and3A_628 : i32 to vector<16xi32>
      %and3A_630 = arith.andi %add3A_627, %and3A_629 : vector<16xi32>
      %bitcast_convert_type3A_631 = tpu.bitcast %and3A_630 : vector<16xi32> -> vector<16xf32>
      %swap3A_632 = arith.index_cast %mul3A_563 : i32 to index
      %swap3A_633 = tpu.vector_load %arg12[%swap3A_632] {strides = array<i32>} : memref<8192xf32, #tpu.memory_space<vmem>>, vector<16xf32>,
      %swap3A_634 = vector.shape_cast %swap3A_633 : vector<16xf32> to vector<16xf32>
      %swap3A_635 = vector.shape_cast %bitcast_convert_type3A_631 : vector<16xf32> to vector<16xf32>
      tpu.vector_store %arg12[%swap3A_632], %swap3A_635 {strides = array<i32>} : memref<8192xf32, #tpu.memory_space<vmem>>, vector<16xf32>,
    }
    %scan3A_7 = arith.constant 512 : i32
    %scan3A_8 = arith.constant 0 : i32
    %scan3A_9 = arith.constant 0 : i32
    %scan3A_10 = arith.constant 512 : i32
    %scan3A_11 = arith.addi %scan3A_9, %scan3A_10 : i32
    %scan3A_12 = arith.constant 1 : i32
    scf.for %scan3A_561 = %scan3A_9 to %scan3A_11 step %scan3A_12  : i32 {
      %mul3A_562 = arith.constant 16 : i32
      %mul3A_563 = arith.muli %scan3A_561, %mul3A_562 : i32
      %get3A_564 = arith.index_cast %mul3A_563 : i32 to index
      %get3A_565 = tpu.vector_load %arg13[%get3A_564] {strides = array<i32>} : memref<8192xf32, #tpu.memory_space<vmem>>, vector<16xf32>,
      %get3A_566 = vector.shape_cast %get3A_565 : vector<16xf32> to vector<16xf32>
      %get3A_567 = arith.index_cast %mul3A_563 : i32 to index
      %get3A_568 = tpu.vector_load %arg14[%get3A_567] {strides = array<i32>} : memref<8192xf32, #tpu.memory_space<vmem>>, vector<16xf32>,
      %get3A_569 = vector.shape_cast %get3A_568 : vector<16xf32> to vector<16xf32>
      %get3A_570 = arith.index_cast %mul3A_563 : i32 to index
      %get3A_571 = tpu.vector_load %arg15[%get3A_570] {strides = array<i32>} : memref<8192xf32, #tpu.memory_space<vmem>>, vector<16xf32>,
      %get3A_572 = vector.shape_cast %get3A_571 : vector<16xf32> to vector<16xf32>
      %mul3A_573 = arith.mulf %get3A_566, %get3A_566 : vector<16xf32>
      %mul3A_574 = arith.mulf %get3A_569, %get3A_569 : vector<16xf32>
      %add3A_575 = arith.addf %mul3A_573, %mul3A_574 : vector<16xf32>
      %mul3A_576 = arith.mulf %get3A_572, %get3A_572 : vector<16xf32>
      %add3A_577 = arith.addf %add3A_575, %mul3A_576 : vector<16xf32>
      %swap3A_578 = arith.index_cast %mul3A_563 : i32 to index
      %swap3A_579 = tpu.vector_load %arg17[%swap3A_578] {strides = array<i32>} : memref<8192xf32, #tpu.memory_space<vmem>>, vector<16xf32>,
      %swap3A_580 = vector.shape_cast %swap3A_579 : vector<16xf32> to vector<16xf32>
      %swap3A_581 = vector.shape_cast %add3A_577 : vector<16xf32> to vector<16xf32>
      tpu.vector_store %arg17[%swap3A_578], %swap3A_581 {strides = array<i32>} : memref<8192xf32, #tpu.memory_space<vmem>>, vector<16xf32>,
      %bitcast_convert_type3A = tpu.bitcast %get3A_566 : vector<16xf32> -> vector<16xi32>
      %add3A_582 = arith.constant 32767 : i32
      %add3A_583 = vector.broadcast %add3A_582 : i32 to vector<16xi32>
      %add3A_584 = arith.addi %bitcast_convert_type3A, %add3A_583 : vector<16xi32>
      %shift_right_logical3A = arith.constant 16 : i32
      %shift_right_logical3A_585 = vector.broadcast %shift_right_logical3A : i32 to vector<16xi32>
      %shift_right_logical3A_586 = arith.shrui %bitcast_convert_type3A, %shift_right_logical3A_585 : vector<16xi32>
      %and3A = arith.constant 1 : i32
      %and3A_587 = vector.broadcast %and3A : i32 to vector<16xi32>
      %and3A_588 = arith.andi %shift_right_logical3A_586, %and3A_587 : vector<16xi32>
      %add3A_589 = arith.addi %add3A_584, %and3A_588 : vector<16xi32>
      %and3A_590 = arith.constant -65536 : i32
      %and3A_591 = vector.broadcast %and3A_590 : i32 to vector<16xi32>
      %and3A_592 = arith.andi %add3A_589, %and3A_591 : vector<16xi32>
      %bitcast_convert_type3A_593 = tpu.bitcast %and3A_592 : vector<16xi32> -> vector<16xf32>
      %swap3A_594 = arith.index_cast %mul3A_563 : i32 to index
      %swap3A_595 = tpu.vector_load %arg13[%swap3A_594] {strides = array<i32>} : memref<8192xf32, #tpu.memory_space<vmem>>, vector<16xf32>,
      %swap3A_596 = vector.shape_cast %swap3A_595 : vector<16xf32> to vector<16xf32>
      %swap3A_597 = vector.shape_cast %bitcast_convert_type3A_593 : vector<16xf32> to vector<16xf32>
      tpu.vector_store %arg13[%swap3A_594], %swap3A_597 {strides = array<i32>} : memref<8192xf32, #tpu.memory_space<vmem>>, vector<16xf32>,
      %bitcast_convert_type3A_598 = tpu.bitcast %get3A_569 : vector<16xf32> -> vector<16xi32>
      %add3A_599 = arith.constant 32767 : i32
      %add3A_600 = vector.broadcast %add3A_599 : i32 to vector<16xi32>
      %add3A_601 = arith.addi %bitcast_convert_type3A_598, %add3A_600 : vector<16xi32>
      %shift_right_logical3A_602 = arith.constant 16 : i32
      %shift_right_logical3A_603 = vector.broadcast %shift_right_logical3A_602 : i32 to vector<16xi32>
      %shift_right_logical3A_604 = arith.shrui %bitcast_convert_type3A_598, %shift_right_logical3A_603 : vector<16xi32>
      %and3A_605 = arith.constant 1 : i32
      %and3A_606 = vector.broadcast %and3A_605 : i32 to vector<16xi32>
      %and3A_607 = arith.andi %shift_right_logical3A_604, %and3A_606 : vector<16xi32>
      %add3A_608 = arith.addi %add3A_601, %and3A_607 : vector<16xi32>
      %and3A_609 = arith.constant -65536 : i32
      %and3A_610 = vector.broadcast %and3A_609 : i32 to vector<16xi32>
      %and3A_611 = arith.andi %add3A_608, %and3A_610 : vector<16xi32>
      %bitcast_convert_type3A_612 = tpu.bitcast %and3A_611 : vector<16xi32> -> vector<16xf32>
      %swap3A_613 = arith.index_cast %mul3A_563 : i32 to index
      %swap3A_614 = tpu.vector_load %arg14[%swap3A_613] {strides = array<i32>} : memref<8192xf32, #tpu.memory_space<vmem>>, vector<16xf32>,
      %swap3A_615 = vector.shape_cast %swap3A_614 : vector<16xf32> to vector<16xf32>
      %swap3A_616 = vector.shape_cast %bitcast_convert_type3A_612 : vector<16xf32> to vector<16xf32>
      tpu.vector_store %arg14[%swap3A_613], %swap3A_616 {strides = array<i32>} : memref<8192xf32, #tpu.memory_space<vmem>>, vector<16xf32>,
      %bitcast_convert_type3A_617 = tpu.bitcast %get3A_572 : vector<16xf32> -> vector<16xi32>
      %add3A_618 = arith.constant 32767 : i32
      %add3A_619 = vector.broadcast %add3A_618 : i32 to vector<16xi32>
      %add3A_620 = arith.addi %bitcast_convert_type3A_617, %add3A_619 : vector<16xi32>
      %shift_right_logical3A_621 = arith.constant 16 : i32
      %shift_right_logical3A_622 = vector.broadcast %shift_right_logical3A_621 : i32 to vector<16xi32>
      %shift_right_logical3A_623 = arith.shrui %bitcast_convert_type3A_617, %shift_right_logical3A_622 : vector<16xi32>
      %and3A_624 = arith.constant 1 : i32
      %and3A_625 = vector.broadcast %and3A_624 : i32 to vector<16xi32>
      %and3A_626 = arith.andi %shift_right_logical3A_623, %and3A_625 : vector<16xi32>
      %add3A_627 = arith.addi %add3A_620, %and3A_626 : vector<16xi32>
      %and3A_628 = arith.constant -65536 : i32
      %and3A_629 = vector.broadcast %and3A_628 : i32 to vector<16xi32>
      %and3A_630 = arith.andi %add3A_627, %and3A_629 : vector<16xi32>
      %bitcast_convert_type3A_631 = tpu.bitcast %and3A_630 : vector<16xi32> -> vector<16xf32>
      %swap3A_632 = arith.index_cast %mul3A_563 : i32 to index
      %swap3A_633 = tpu.vector_load %arg15[%swap3A_632] {strides = array<i32>} : memref<8192xf32, #tpu.memory_space<vmem>>, vector<16xf32>,
      %swap3A_634 = vector.shape_cast %swap3A_633 : vector<16xf32> to vector<16xf32>
      %swap3A_635 = vector.shape_cast %bitcast_convert_type3A_631 : vector<16xf32> to vector<16xf32>
      tpu.vector_store %arg15[%swap3A_632], %swap3A_635 {strides = array<i32>} : memref<8192xf32, #tpu.memory_space<vmem>>, vector<16xf32>,
    }
    %scan3A_13 = arith.constant 512 : i32
    %broadcast_in_dim3A = arith.constant 0x7F800000 : f32
    %broadcast_in_dim3A_14 = vector.broadcast %broadcast_in_dim3A : f32 to vector<16xf32>
    %scan3A_15 = arith.constant 0 : i32
    %scan3A_16 = arith.constant 0 : i32
    %scan3A_17 = arith.constant 512 : i32
    %scan3A_18 = arith.addi %scan3A_16, %scan3A_17 : i32
    %scan3A_19 = arith.constant 1 : i32
    scf.for %scan3A_561 = %scan3A_16 to %scan3A_18 step %scan3A_19  : i32 {
      %mul3A_562 = arith.constant 16 : i32
      %mul3A_563 = arith.muli %scan3A_561, %mul3A_562 : i32
      %swap3A_564 = arith.index_cast %mul3A_563 : i32 to index
      %swap3A_565 = tpu.vector_load %arg18[%swap3A_564] {strides = array<i32>} : memref<8192xf32, #tpu.memory_space<vmem>>, vector<16xf32>,
      %swap3A_566 = vector.shape_cast %swap3A_565 : vector<16xf32> to vector<16xf32>
      %swap3A_567 = vector.shape_cast %broadcast_in_dim3A_14 : vector<16xf32> to vector<16xf32>
      tpu.vector_store %arg18[%swap3A_564], %swap3A_567 {strides = array<i32>} : memref<8192xf32, #tpu.memory_space<vmem>>, vector<16xf32>,
    }
    %scan3A_20 = arith.constant 512 : i32
    %iota3A = tpu.iota {dimensions = array<i32: 0>} : vector<16xi32>
    %add3A_21 = arith.constant 0 : i32
    %add3A_22 = arith.addi %mul3A_2, %add3A_21 : i32
    %get3A = arith.index_cast %add3A_22 : i32 to index
    %get3A_23 = tpu.vector_load %arg10[%get3A] {strides = array<i32>} : memref<8192xf32, #tpu.memory_space<vmem>>, vector<16xf32>,
    %get3A_24 = vector.shape_cast %get3A_23 : vector<16xf32> to vector<16xf32>
    %mul3A_25 = arith.constant -2.000000e+00 : f32
    %mul3A_26 = vector.broadcast %mul3A_25 : f32 to vector<16xf32>
    %mul3A_27 = arith.mulf %get3A_24, %mul3A_26 : vector<16xf32>
    %get3A_28 = arith.index_cast %add3A_22 : i32 to index
    %get3A_29 = tpu.vector_load %arg11[%get3A_28] {strides = array<i32>} : memref<8192xf32, #tpu.memory_space<vmem>>, vector<16xf32>,
    %get3A_30 = vector.shape_cast %get3A_29 : vector<16xf32> to vector<16xf32>
    %mul3A_31 = arith.constant -2.000000e+00 : f32
    %mul3A_32 = vector.broadcast %mul3A_31 : f32 to vector<16xf32>
    %mul3A_33 = arith.mulf %get3A_30, %mul3A_32 : vector<16xf32>
    %get3A_34 = arith.index_cast %add3A_22 : i32 to index
    %get3A_35 = tpu.vector_load %arg12[%get3A_34] {strides = array<i32>} : memref<8192xf32, #tpu.memory_space<vmem>>, vector<16xf32>,
    %get3A_36 = vector.shape_cast %get3A_35 : vector<16xf32> to vector<16xf32>
    %mul3A_37 = arith.constant -2.000000e+00 : f32
    %mul3A_38 = vector.broadcast %mul3A_37 : f32 to vector<16xf32>
    %mul3A_39 = arith.mulf %get3A_36, %mul3A_38 : vector<16xf32>
    %get3A_40 = arith.index_cast %add3A_22 : i32 to index
    %get3A_41 = tpu.vector_load %arg16[%get3A_40] {strides = array<i32>} : memref<8192xf32, #tpu.memory_space<vmem>>, vector<16xf32>,
    %get3A_42 = vector.shape_cast %get3A_41 : vector<16xf32> to vector<16xf32>
    %add3A_43 = arith.constant 16 : i32
    %add3A_44 = arith.addi %mul3A_2, %add3A_43 : i32
    %get3A_45 = arith.index_cast %add3A_44 : i32 to index
    %get3A_46 = tpu.vector_load %arg10[%get3A_45] {strides = array<i32>} : memref<8192xf32, #tpu.memory_space<vmem>>, vector<16xf32>,
    %get3A_47 = vector.shape_cast %get3A_46 : vector<16xf32> to vector<16xf32>
    %mul3A_48 = arith.constant -2.000000e+00 : f32
    %mul3A_49 = vector.broadcast %mul3A_48 : f32 to vector<16xf32>
    %mul3A_50 = arith.mulf %get3A_47, %mul3A_49 : vector<16xf32>
    %get3A_51 = arith.index_cast %add3A_44 : i32 to index
    %get3A_52 = tpu.vector_load %arg11[%get3A_51] {strides = array<i32>} : memref<8192xf32, #tpu.memory_space<vmem>>, vector<16xf32>,
    %get3A_53 = vector.shape_cast %get3A_52 : vector<16xf32> to vector<16xf32>
    %mul3A_54 = arith.constant -2.000000e+00 : f32
    %mul3A_55 = vector.broadcast %mul3A_54 : f32 to vector<16xf32>
    %mul3A_56 = arith.mulf %get3A_53, %mul3A_55 : vector<16xf32>
    %get3A_57 = arith.index_cast %add3A_44 : i32 to index
    %get3A_58 = tpu.vector_load %arg12[%get3A_57] {strides = array<i32>} : memref<8192xf32, #tpu.memory_space<vmem>>, vector<16xf32>,
    %get3A_59 = vector.shape_cast %get3A_58 : vector<16xf32> to vector<16xf32>
    %mul3A_60 = arith.constant -2.000000e+00 : f32
    %mul3A_61 = vector.broadcast %mul3A_60 : f32 to vector<16xf32>
    %mul3A_62 = arith.mulf %get3A_59, %mul3A_61 : vector<16xf32>
    %get3A_63 = arith.index_cast %add3A_44 : i32 to index
    %get3A_64 = tpu.vector_load %arg16[%get3A_63] {strides = array<i32>} : memref<8192xf32, #tpu.memory_space<vmem>>, vector<16xf32>,
    %get3A_65 = vector.shape_cast %get3A_64 : vector<16xf32> to vector<16xf32>
    %add3A_66 = arith.constant 32 : i32
    %add3A_67 = arith.addi %mul3A_2, %add3A_66 : i32
    %get3A_68 = arith.index_cast %add3A_67 : i32 to index
    %get3A_69 = tpu.vector_load %arg10[%get3A_68] {strides = array<i32>} : memref<8192xf32, #tpu.memory_space<vmem>>, vector<16xf32>,
    %get3A_70 = vector.shape_cast %get3A_69 : vector<16xf32> to vector<16xf32>
    %mul3A_71 = arith.constant -2.000000e+00 : f32
    %mul3A_72 = vector.broadcast %mul3A_71 : f32 to vector<16xf32>
    %mul3A_73 = arith.mulf %get3A_70, %mul3A_72 : vector<16xf32>
    %get3A_74 = arith.index_cast %add3A_67 : i32 to index
    %get3A_75 = tpu.vector_load %arg11[%get3A_74] {strides = array<i32>} : memref<8192xf32, #tpu.memory_space<vmem>>, vector<16xf32>,
    %get3A_76 = vector.shape_cast %get3A_75 : vector<16xf32> to vector<16xf32>
    %mul3A_77 = arith.constant -2.000000e+00 : f32
    %mul3A_78 = vector.broadcast %mul3A_77 : f32 to vector<16xf32>
    %mul3A_79 = arith.mulf %get3A_76, %mul3A_78 : vector<16xf32>
    %get3A_80 = arith.index_cast %add3A_67 : i32 to index
    %get3A_81 = tpu.vector_load %arg12[%get3A_80] {strides = array<i32>} : memref<8192xf32, #tpu.memory_space<vmem>>, vector<16xf32>,
    %get3A_82 = vector.shape_cast %get3A_81 : vector<16xf32> to vector<16xf32>
    %mul3A_83 = arith.constant -2.000000e+00 : f32
    %mul3A_84 = vector.broadcast %mul3A_83 : f32 to vector<16xf32>
    %mul3A_85 = arith.mulf %get3A_82, %mul3A_84 : vector<16xf32>
    %get3A_86 = arith.index_cast %add3A_67 : i32 to index
    %get3A_87 = tpu.vector_load %arg16[%get3A_86] {strides = array<i32>} : memref<8192xf32, #tpu.memory_space<vmem>>, vector<16xf32>,
    %get3A_88 = vector.shape_cast %get3A_87 : vector<16xf32> to vector<16xf32>
    %add3A_89 = arith.constant 48 : i32
    %add3A_90 = arith.addi %mul3A_2, %add3A_89 : i32
    %get3A_91 = arith.index_cast %add3A_90 : i32 to index
    %get3A_92 = tpu.vector_load %arg10[%get3A_91] {strides = array<i32>} : memref<8192xf32, #tpu.memory_space<vmem>>, vector<16xf32>,
    %get3A_93 = vector.shape_cast %get3A_92 : vector<16xf32> to vector<16xf32>
    %mul3A_94 = arith.constant -2.000000e+00 : f32
    %mul3A_95 = vector.broadcast %mul3A_94 : f32 to vector<16xf32>
    %mul3A_96 = arith.mulf %get3A_93, %mul3A_95 : vector<16xf32>
    %get3A_97 = arith.index_cast %add3A_90 : i32 to index
    %get3A_98 = tpu.vector_load %arg11[%get3A_97] {strides = array<i32>} : memref<8192xf32, #tpu.memory_space<vmem>>, vector<16xf32>,
    %get3A_99 = vector.shape_cast %get3A_98 : vector<16xf32> to vector<16xf32>
    %mul3A_100 = arith.constant -2.000000e+00 : f32
    %mul3A_101 = vector.broadcast %mul3A_100 : f32 to vector<16xf32>
    %mul3A_102 = arith.mulf %get3A_99, %mul3A_101 : vector<16xf32>
    %get3A_103 = arith.index_cast %add3A_90 : i32 to index
    %get3A_104 = tpu.vector_load %arg12[%get3A_103] {strides = array<i32>} : memref<8192xf32, #tpu.memory_space<vmem>>, vector<16xf32>,
    %get3A_105 = vector.shape_cast %get3A_104 : vector<16xf32> to vector<16xf32>
    %mul3A_106 = arith.constant -2.000000e+00 : f32
    %mul3A_107 = vector.broadcast %mul3A_106 : f32 to vector<16xf32>
    %mul3A_108 = arith.mulf %get3A_105, %mul3A_107 : vector<16xf32>
    %get3A_109 = arith.index_cast %add3A_90 : i32 to index
    %get3A_110 = tpu.vector_load %arg16[%get3A_109] {strides = array<i32>} : memref<8192xf32, #tpu.memory_space<vmem>>, vector<16xf32>,
    %get3A_111 = vector.shape_cast %get3A_110 : vector<16xf32> to vector<16xf32>
    %add3A_112 = arith.constant 64 : i32
    %add3A_113 = arith.addi %mul3A_2, %add3A_112 : i32
    %get3A_114 = arith.index_cast %add3A_113 : i32 to index
    %get3A_115 = tpu.vector_load %arg10[%get3A_114] {strides = array<i32>} : memref<8192xf32, #tpu.memory_space<vmem>>, vector<16xf32>,
    %get3A_116 = vector.shape_cast %get3A_115 : vector<16xf32> to vector<16xf32>
    %mul3A_117 = arith.constant -2.000000e+00 : f32
    %mul3A_118 = vector.broadcast %mul3A_117 : f32 to vector<16xf32>
    %mul3A_119 = arith.mulf %get3A_116, %mul3A_118 : vector<16xf32>
    %get3A_120 = arith.index_cast %add3A_113 : i32 to index
    %get3A_121 = tpu.vector_load %arg11[%get3A_120] {strides = array<i32>} : memref<8192xf32, #tpu.memory_space<vmem>>, vector<16xf32>,
    %get3A_122 = vector.shape_cast %get3A_121 : vector<16xf32> to vector<16xf32>
    %mul3A_123 = arith.constant -2.000000e+00 : f32
    %mul3A_124 = vector.broadcast %mul3A_123 : f32 to vector<16xf32>
    %mul3A_125 = arith.mulf %get3A_122, %mul3A_124 : vector<16xf32>
    %get3A_126 = arith.index_cast %add3A_113 : i32 to index
    %get3A_127 = tpu.vector_load %arg12[%get3A_126] {strides = array<i32>} : memref<8192xf32, #tpu.memory_space<vmem>>, vector<16xf32>,
    %get3A_128 = vector.shape_cast %get3A_127 : vector<16xf32> to vector<16xf32>
    %mul3A_129 = arith.constant -2.000000e+00 : f32
    %mul3A_130 = vector.broadcast %mul3A_129 : f32 to vector<16xf32>
    %mul3A_131 = arith.mulf %get3A_128, %mul3A_130 : vector<16xf32>
    %get3A_132 = arith.index_cast %add3A_113 : i32 to index
    %get3A_133 = tpu.vector_load %arg16[%get3A_132] {strides = array<i32>} : memref<8192xf32, #tpu.memory_space<vmem>>, vector<16xf32>,
    %get3A_134 = vector.shape_cast %get3A_133 : vector<16xf32> to vector<16xf32>
    %add3A_135 = arith.constant 80 : i32
    %add3A_136 = arith.addi %mul3A_2, %add3A_135 : i32
    %get3A_137 = arith.index_cast %add3A_136 : i32 to index
    %get3A_138 = tpu.vector_load %arg10[%get3A_137] {strides = array<i32>} : memref<8192xf32, #tpu.memory_space<vmem>>, vector<16xf32>,
    %get3A_139 = vector.shape_cast %get3A_138 : vector<16xf32> to vector<16xf32>
    %mul3A_140 = arith.constant -2.000000e+00 : f32
    %mul3A_141 = vector.broadcast %mul3A_140 : f32 to vector<16xf32>
    %mul3A_142 = arith.mulf %get3A_139, %mul3A_141 : vector<16xf32>
    %get3A_143 = arith.index_cast %add3A_136 : i32 to index
    %get3A_144 = tpu.vector_load %arg11[%get3A_143] {strides = array<i32>} : memref<8192xf32, #tpu.memory_space<vmem>>, vector<16xf32>,
    %get3A_145 = vector.shape_cast %get3A_144 : vector<16xf32> to vector<16xf32>
    %mul3A_146 = arith.constant -2.000000e+00 : f32
    %mul3A_147 = vector.broadcast %mul3A_146 : f32 to vector<16xf32>
    %mul3A_148 = arith.mulf %get3A_145, %mul3A_147 : vector<16xf32>
    %get3A_149 = arith.index_cast %add3A_136 : i32 to index
    %get3A_150 = tpu.vector_load %arg12[%get3A_149] {strides = array<i32>} : memref<8192xf32, #tpu.memory_space<vmem>>, vector<16xf32>,
    %get3A_151 = vector.shape_cast %get3A_150 : vector<16xf32> to vector<16xf32>
    %mul3A_152 = arith.constant -2.000000e+00 : f32
    %mul3A_153 = vector.broadcast %mul3A_152 : f32 to vector<16xf32>
    %mul3A_154 = arith.mulf %get3A_151, %mul3A_153 : vector<16xf32>
    %get3A_155 = arith.index_cast %add3A_136 : i32 to index
    %get3A_156 = tpu.vector_load %arg16[%get3A_155] {strides = array<i32>} : memref<8192xf32, #tpu.memory_space<vmem>>, vector<16xf32>,
    %get3A_157 = vector.shape_cast %get3A_156 : vector<16xf32> to vector<16xf32>
    %add3A_158 = arith.constant 96 : i32
    %add3A_159 = arith.addi %mul3A_2, %add3A_158 : i32
    %get3A_160 = arith.index_cast %add3A_159 : i32 to index
    %get3A_161 = tpu.vector_load %arg10[%get3A_160] {strides = array<i32>} : memref<8192xf32, #tpu.memory_space<vmem>>, vector<16xf32>,
    %get3A_162 = vector.shape_cast %get3A_161 : vector<16xf32> to vector<16xf32>
    %mul3A_163 = arith.constant -2.000000e+00 : f32
    %mul3A_164 = vector.broadcast %mul3A_163 : f32 to vector<16xf32>
    %mul3A_165 = arith.mulf %get3A_162, %mul3A_164 : vector<16xf32>
    %get3A_166 = arith.index_cast %add3A_159 : i32 to index
    %get3A_167 = tpu.vector_load %arg11[%get3A_166] {strides = array<i32>} : memref<8192xf32, #tpu.memory_space<vmem>>, vector<16xf32>,
    %get3A_168 = vector.shape_cast %get3A_167 : vector<16xf32> to vector<16xf32>
    %mul3A_169 = arith.constant -2.000000e+00 : f32
    %mul3A_170 = vector.broadcast %mul3A_169 : f32 to vector<16xf32>
    %mul3A_171 = arith.mulf %get3A_168, %mul3A_170 : vector<16xf32>
    %get3A_172 = arith.index_cast %add3A_159 : i32 to index
    %get3A_173 = tpu.vector_load %arg12[%get3A_172] {strides = array<i32>} : memref<8192xf32, #tpu.memory_space<vmem>>, vector<16xf32>,
    %get3A_174 = vector.shape_cast %get3A_173 : vector<16xf32> to vector<16xf32>
    %mul3A_175 = arith.constant -2.000000e+00 : f32
    %mul3A_176 = vector.broadcast %mul3A_175 : f32 to vector<16xf32>
    %mul3A_177 = arith.mulf %get3A_174, %mul3A_176 : vector<16xf32>
    %get3A_178 = arith.index_cast %add3A_159 : i32 to index
    %get3A_179 = tpu.vector_load %arg16[%get3A_178] {strides = array<i32>} : memref<8192xf32, #tpu.memory_space<vmem>>, vector<16xf32>,
    %get3A_180 = vector.shape_cast %get3A_179 : vector<16xf32> to vector<16xf32>
    %add3A_181 = arith.constant 112 : i32
    %add3A_182 = arith.addi %mul3A_2, %add3A_181 : i32
    %get3A_183 = arith.index_cast %add3A_182 : i32 to index
    %get3A_184 = tpu.vector_load %arg10[%get3A_183] {strides = array<i32>} : memref<8192xf32, #tpu.memory_space<vmem>>, vector<16xf32>,
    %get3A_185 = vector.shape_cast %get3A_184 : vector<16xf32> to vector<16xf32>
    %mul3A_186 = arith.constant -2.000000e+00 : f32
    %mul3A_187 = vector.broadcast %mul3A_186 : f32 to vector<16xf32>
    %mul3A_188 = arith.mulf %get3A_185, %mul3A_187 : vector<16xf32>
    %get3A_189 = arith.index_cast %add3A_182 : i32 to index
    %get3A_190 = tpu.vector_load %arg11[%get3A_189] {strides = array<i32>} : memref<8192xf32, #tpu.memory_space<vmem>>, vector<16xf32>,
    %get3A_191 = vector.shape_cast %get3A_190 : vector<16xf32> to vector<16xf32>
    %mul3A_192 = arith.constant -2.000000e+00 : f32
    %mul3A_193 = vector.broadcast %mul3A_192 : f32 to vector<16xf32>
    %mul3A_194 = arith.mulf %get3A_191, %mul3A_193 : vector<16xf32>
    %get3A_195 = arith.index_cast %add3A_182 : i32 to index
    %get3A_196 = tpu.vector_load %arg12[%get3A_195] {strides = array<i32>} : memref<8192xf32, #tpu.memory_space<vmem>>, vector<16xf32>,
    %get3A_197 = vector.shape_cast %get3A_196 : vector<16xf32> to vector<16xf32>
    %mul3A_198 = arith.constant -2.000000e+00 : f32
    %mul3A_199 = vector.broadcast %mul3A_198 : f32 to vector<16xf32>
    %mul3A_200 = arith.mulf %get3A_197, %mul3A_199 : vector<16xf32>
    %get3A_201 = arith.index_cast %add3A_182 : i32 to index
    %get3A_202 = tpu.vector_load %arg16[%get3A_201] {strides = array<i32>} : memref<8192xf32, #tpu.memory_space<vmem>>, vector<16xf32>,
    %get3A_203 = vector.shape_cast %get3A_202 : vector<16xf32> to vector<16xf32>
    %scan3A_204 = arith.constant 0 : i32
    %scan3A_205 = arith.constant 512 : i32
    %scan3A_206 = arith.addi %scan3A_204, %scan3A_205 : i32
    %scan3A_207 = arith.constant 1 : i32
    %scan3A_208:8 = scf.for %scan3A_561 = %scan3A_204 to %scan3A_206 step %scan3A_207 iter_args(%scan3A_562 = %broadcast_in_dim3A_14, %scan3A_563 = %broadcast_in_dim3A_14, %scan3A_564 = %broadcast_in_dim3A_14, %scan3A_565 = %broadcast_in_dim3A_14, %scan3A_566 = %broadcast_in_dim3A_14, %scan3A_567 = %broadcast_in_dim3A_14, %scan3A_568 = %broadcast_in_dim3A_14, %scan3A_569 = %broadcast_in_dim3A_14) -> (vector<16xf32>, vector<16xf32>, vector<16xf32>, vector<16xf32>, vector<16xf32>, vector<16xf32>, vector<16xf32>, vector<16xf32>)  : i32 {
      %mul3A_570 = arith.constant 16 : i32
      %mul3A_571 = arith.muli %scan3A_561, %mul3A_570 : i32
      %get3A_572 = arith.index_cast %mul3A_571 : i32 to index
      %get3A_573 = tpu.vector_load %arg13[%get3A_572] {strides = array<i32>} : memref<8192xf32, #tpu.memory_space<vmem>>, vector<16xf32>,
      %get3A_574 = vector.shape_cast %get3A_573 : vector<16xf32> to vector<16xf32>
      %get3A_575 = arith.index_cast %mul3A_571 : i32 to index
      %get3A_576 = tpu.vector_load %arg14[%get3A_575] {strides = array<i32>} : memref<8192xf32, #tpu.memory_space<vmem>>, vector<16xf32>,
      %get3A_577 = vector.shape_cast %get3A_576 : vector<16xf32> to vector<16xf32>
      %get3A_578 = arith.index_cast %mul3A_571 : i32 to index
      %get3A_579 = tpu.vector_load %arg15[%get3A_578] {strides = array<i32>} : memref<8192xf32, #tpu.memory_space<vmem>>, vector<16xf32>,
      %get3A_580 = vector.shape_cast %get3A_579 : vector<16xf32> to vector<16xf32>
      %get3A_581 = arith.index_cast %mul3A_571 : i32 to index
      %get3A_582 = tpu.vector_load %arg17[%get3A_581] {strides = array<i32>} : memref<8192xf32, #tpu.memory_space<vmem>>, vector<16xf32>,
      %get3A_583 = vector.shape_cast %get3A_582 : vector<16xf32> to vector<16xf32>
      %scan3A_584 = arith.constant 0 : i32
      %scan3A_585 = arith.constant 16 : i32
      %scan3A_586 = arith.addi %scan3A_584, %scan3A_585 : i32
      %scan3A_587 = arith.constant 2 : i32
      %scan3A_588:9 = scf.for %scan3A_597 = %scan3A_584 to %scan3A_586 step %scan3A_587 iter_args(%scan3A_598 = %scan3A_562, %scan3A_599 = %scan3A_563, %scan3A_600 = %scan3A_564, %scan3A_601 = %scan3A_565, %scan3A_602 = %scan3A_566, %scan3A_603 = %scan3A_567, %scan3A_604 = %scan3A_568, %scan3A_605 = %scan3A_569, %scan3A_606 = %broadcast_in_dim3A_14) -> (vector<16xf32>, vector<16xf32>, vector<16xf32>, vector<16xf32>, vector<16xf32>, vector<16xf32>, vector<16xf32>, vector<16xf32>, vector<16xf32>)  : i32 {
        %broadcast_in_dim3A_607 = vector.broadcast %scan3A_597 : i32 to vector<16xi32>
        %broadcast_in_dim3A_608 = vector.shape_cast %broadcast_in_dim3A_607 : vector<16xi32> to vector<16x1xi32>
        %gather3A = vector.shape_cast %broadcast_in_dim3A_608 : vector<16x1xi32> to vector<16xi32>
        %gather3A_609 = tpu.dynamic_gather %get3A_574[%gather3A] in [0] : vector<16xf32>, vector<16xi32> -> vector<16xf32>
        %broadcast_in_dim3A_610 = vector.shape_cast %broadcast_in_dim3A_607 : vector<16xi32> to vector<16x1xi32>
        %gather3A_611 = vector.shape_cast %broadcast_in_dim3A_610 : vector<16x1xi32> to vector<16xi32>
        %gather3A_612 = tpu.dynamic_gather %get3A_577[%gather3A_611] in [0] : vector<16xf32>, vector<16xi32> -> vector<16xf32>
        %broadcast_in_dim3A_613 = vector.shape_cast %broadcast_in_dim3A_607 : vector<16xi32> to vector<16x1xi32>
        %gather3A_614 = vector.shape_cast %broadcast_in_dim3A_613 : vector<16x1xi32> to vector<16xi32>
        %gather3A_615 = tpu.dynamic_gather %get3A_580[%gather3A_614] in [0] : vector<16xf32>, vector<16xi32> -> vector<16xf32>
        %broadcast_in_dim3A_616 = vector.shape_cast %broadcast_in_dim3A_607 : vector<16xi32> to vector<16x1xi32>
        %gather3A_617 = vector.shape_cast %broadcast_in_dim3A_616 : vector<16x1xi32> to vector<16xi32>
        %gather3A_618 = tpu.dynamic_gather %get3A_583[%gather3A_617] in [0] : vector<16xf32>, vector<16xi32> -> vector<16xf32>
        %mul3A_619 = arith.mulf %mul3A_27, %gather3A_609 : vector<16xf32>
        %add3A_620 = arith.addf %gather3A_618, %mul3A_619 : vector<16xf32>
        %mul3A_621 = arith.mulf %mul3A_33, %gather3A_612 : vector<16xf32>
        %add3A_622 = arith.addf %add3A_620, %mul3A_621 : vector<16xf32>
        %mul3A_623 = arith.mulf %mul3A_39, %gather3A_615 : vector<16xf32>
        %add3A_624 = arith.addf %add3A_622, %mul3A_623 : vector<16xf32>
        %min3A_625 = arith.minimumf %scan3A_598, %add3A_624 : vector<16xf32>
        %add3A_626 = arith.addf %add3A_624, %get3A_42 : vector<16xf32>
        %mul3A_627 = arith.mulf %mul3A_50, %gather3A_609 : vector<16xf32>
        %add3A_628 = arith.addf %gather3A_618, %mul3A_627 : vector<16xf32>
        %mul3A_629 = arith.mulf %mul3A_56, %gather3A_612 : vector<16xf32>
        %add3A_630 = arith.addf %add3A_628, %mul3A_629 : vector<16xf32>
        %mul3A_631 = arith.mulf %mul3A_62, %gather3A_615 : vector<16xf32>
        %add3A_632 = arith.addf %add3A_630, %mul3A_631 : vector<16xf32>
        %min3A_633 = arith.minimumf %scan3A_599, %add3A_632 : vector<16xf32>
        %add3A_634 = arith.addf %add3A_632, %get3A_65 : vector<16xf32>
        %mul3A_635 = arith.mulf %mul3A_73, %gather3A_609 : vector<16xf32>
        %add3A_636 = arith.addf %gather3A_618, %mul3A_635 : vector<16xf32>
        %mul3A_637 = arith.mulf %mul3A_79, %gather3A_612 : vector<16xf32>
        %add3A_638 = arith.addf %add3A_636, %mul3A_637 : vector<16xf32>
        %mul3A_639 = arith.mulf %mul3A_85, %gather3A_615 : vector<16xf32>
        %add3A_640 = arith.addf %add3A_638, %mul3A_639 : vector<16xf32>
        %min3A_641 = arith.minimumf %scan3A_600, %add3A_640 : vector<16xf32>
        %add3A_642 = arith.addf %add3A_640, %get3A_88 : vector<16xf32>
        %mul3A_643 = arith.mulf %mul3A_96, %gather3A_609 : vector<16xf32>
        %add3A_644 = arith.addf %gather3A_618, %mul3A_643 : vector<16xf32>
        %mul3A_645 = arith.mulf %mul3A_102, %gather3A_612 : vector<16xf32>
        %add3A_646 = arith.addf %add3A_644, %mul3A_645 : vector<16xf32>
        %mul3A_647 = arith.mulf %mul3A_108, %gather3A_615 : vector<16xf32>
        %add3A_648 = arith.addf %add3A_646, %mul3A_647 : vector<16xf32>
        %min3A_649 = arith.minimumf %scan3A_601, %add3A_648 : vector<16xf32>
        %add3A_650 = arith.addf %add3A_648, %get3A_111 : vector<16xf32>
        %mul3A_651 = arith.mulf %mul3A_119, %gather3A_609 : vector<16xf32>
        %add3A_652 = arith.addf %gather3A_618, %mul3A_651 : vector<16xf32>
        %mul3A_653 = arith.mulf %mul3A_125, %gather3A_612 : vector<16xf32>
        %add3A_654 = arith.addf %add3A_652, %mul3A_653 : vector<16xf32>
        %mul3A_655 = arith.mulf %mul3A_131, %gather3A_615 : vector<16xf32>
        %add3A_656 = arith.addf %add3A_654, %mul3A_655 : vector<16xf32>
        %min3A_657 = arith.minimumf %scan3A_602, %add3A_656 : vector<16xf32>
        %add3A_658 = arith.addf %add3A_656, %get3A_134 : vector<16xf32>
        %mul3A_659 = arith.mulf %mul3A_142, %gather3A_609 : vector<16xf32>
        %add3A_660 = arith.addf %gather3A_618, %mul3A_659 : vector<16xf32>
        %mul3A_661 = arith.mulf %mul3A_148, %gather3A_612 : vector<16xf32>
        %add3A_662 = arith.addf %add3A_660, %mul3A_661 : vector<16xf32>
        %mul3A_663 = arith.mulf %mul3A_154, %gather3A_615 : vector<16xf32>
        %add3A_664 = arith.addf %add3A_662, %mul3A_663 : vector<16xf32>
        %min3A_665 = arith.minimumf %scan3A_603, %add3A_664 : vector<16xf32>
        %add3A_666 = arith.addf %add3A_664, %get3A_157 : vector<16xf32>
        %mul3A_667 = arith.mulf %mul3A_165, %gather3A_609 : vector<16xf32>
        %add3A_668 = arith.addf %gather3A_618, %mul3A_667 : vector<16xf32>
        %mul3A_669 = arith.mulf %mul3A_171, %gather3A_612 : vector<16xf32>
        %add3A_670 = arith.addf %add3A_668, %mul3A_669 : vector<16xf32>
        %mul3A_671 = arith.mulf %mul3A_177, %gather3A_615 : vector<16xf32>
        %add3A_672 = arith.addf %add3A_670, %mul3A_671 : vector<16xf32>
        %min3A_673 = arith.minimumf %scan3A_604, %add3A_672 : vector<16xf32>
        %add3A_674 = arith.addf %add3A_672, %get3A_180 : vector<16xf32>
        %mul3A_675 = arith.mulf %mul3A_188, %gather3A_609 : vector<16xf32>
        %add3A_676 = arith.addf %gather3A_618, %mul3A_675 : vector<16xf32>
        %mul3A_677 = arith.mulf %mul3A_194, %gather3A_612 : vector<16xf32>
        %add3A_678 = arith.addf %add3A_676, %mul3A_677 : vector<16xf32>
        %mul3A_679 = arith.mulf %mul3A_200, %gather3A_615 : vector<16xf32>
        %add3A_680 = arith.addf %add3A_678, %mul3A_679 : vector<16xf32>
        %min3A_681 = arith.minimumf %scan3A_605, %add3A_680 : vector<16xf32>
        %add3A_682 = arith.addf %add3A_680, %get3A_203 : vector<16xf32>
        %min3A_683 = arith.minimumf %add3A_626, %add3A_634 : vector<16xf32>
        %min3A_684 = arith.minimumf %add3A_642, %add3A_650 : vector<16xf32>
        %min3A_685 = arith.minimumf %add3A_658, %add3A_666 : vector<16xf32>
        %min3A_686 = arith.minimumf %add3A_674, %add3A_682 : vector<16xf32>
        %min3A_687 = arith.minimumf %min3A_683, %min3A_684 : vector<16xf32>
        %min3A_688 = arith.minimumf %min3A_685, %min3A_686 : vector<16xf32>
        %min3A_689 = arith.minimumf %min3A_687, %min3A_688 : vector<16xf32>
        %xor3A = arith.constant 8 : i32
        %xor3A_690 = vector.broadcast %xor3A : i32 to vector<16xi32>
        %xor3A_691 = arith.xori %iota3A, %xor3A_690 : vector<16xi32>
        %broadcast_in_dim3A_692 = vector.shape_cast %xor3A_691 : vector<16xi32> to vector<16x1xi32>
        %gather3A_693 = vector.shape_cast %broadcast_in_dim3A_692 : vector<16x1xi32> to vector<16xi32>
        %gather3A_694 = tpu.dynamic_gather %min3A_689[%gather3A_693] in [0] : vector<16xf32>, vector<16xi32> -> vector<16xf32>
        %min3A_695 = arith.minimumf %min3A_689, %gather3A_694 : vector<16xf32>
        %xor3A_696 = arith.constant 4 : i32
        %xor3A_697 = vector.broadcast %xor3A_696 : i32 to vector<16xi32>
        %xor3A_698 = arith.xori %iota3A, %xor3A_697 : vector<16xi32>
        %broadcast_in_dim3A_699 = vector.shape_cast %xor3A_698 : vector<16xi32> to vector<16x1xi32>
        %gather3A_700 = vector.shape_cast %broadcast_in_dim3A_699 : vector<16x1xi32> to vector<16xi32>
        %gather3A_701 = tpu.dynamic_gather %min3A_695[%gather3A_700] in [0] : vector<16xf32>, vector<16xi32> -> vector<16xf32>
        %min3A_702 = arith.minimumf %min3A_695, %gather3A_701 : vector<16xf32>
        %xor3A_703 = arith.constant 2 : i32
        %xor3A_704 = vector.broadcast %xor3A_703 : i32 to vector<16xi32>
        %xor3A_705 = arith.xori %iota3A, %xor3A_704 : vector<16xi32>
        %broadcast_in_dim3A_706 = vector.shape_cast %xor3A_705 : vector<16xi32> to vector<16x1xi32>
        %gather3A_707 = vector.shape_cast %broadcast_in_dim3A_706 : vector<16x1xi32> to vector<16xi32>
        %gather3A_708 = tpu.dynamic_gather %min3A_702[%gather3A_707] in [0] : vector<16xf32>, vector<16xi32> -> vector<16xf32>
        %min3A_709 = arith.minimumf %min3A_702, %gather3A_708 : vector<16xf32>
        %xor3A_710 = arith.constant 1 : i32
        %xor3A_711 = vector.broadcast %xor3A_710 : i32 to vector<16xi32>
        %xor3A_712 = arith.xori %iota3A, %xor3A_711 : vector<16xi32>
        %broadcast_in_dim3A_713 = vector.shape_cast %xor3A_712 : vector<16xi32> to vector<16x1xi32>
        %gather3A_714 = vector.shape_cast %broadcast_in_dim3A_713 : vector<16x1xi32> to vector<16xi32>
        %gather3A_715 = tpu.dynamic_gather %min3A_709[%gather3A_714] in [0] : vector<16xf32>, vector<16xi32> -> vector<16xf32>
        %min3A_716 = arith.minimumf %min3A_709, %gather3A_715 : vector<16xf32>
        %eq3A = arith.cmpi eq, %iota3A, %broadcast_in_dim3A_607 : vector<16xi32>
        %jit3A = arith.constant 0x7F800000 : f32
        %broadcast_in_dim3A_717 = vector.broadcast %jit3A : f32 to vector<16xf32>
        %select_n3A = arith.select %eq3A, %min3A_716, %broadcast_in_dim3A_717 : vector<16xi1>, vector<16xf32>
        %min3A_718 = arith.minimumf %scan3A_606, %select_n3A : vector<16xf32>
        %scan3A_719 = arith.constant 1 : i32
        %scan3A_720 = arith.addi %scan3A_597, %scan3A_719 : i32
        %broadcast_in_dim3A_721 = vector.broadcast %scan3A_720 : i32 to vector<16xi32>
        %broadcast_in_dim3A_722 = vector.shape_cast %broadcast_in_dim3A_721 : vector<16xi32> to vector<16x1xi32>
        %gather3A_723 = vector.shape_cast %broadcast_in_dim3A_722 : vector<16x1xi32> to vector<16xi32>
        %gather3A_724 = tpu.dynamic_gather %get3A_574[%gather3A_723] in [0] : vector<16xf32>, vector<16xi32> -> vector<16xf32>
        %broadcast_in_dim3A_725 = vector.shape_cast %broadcast_in_dim3A_721 : vector<16xi32> to vector<16x1xi32>
        %gather3A_726 = vector.shape_cast %broadcast_in_dim3A_725 : vector<16x1xi32> to vector<16xi32>
        %gather3A_727 = tpu.dynamic_gather %get3A_577[%gather3A_726] in [0] : vector<16xf32>, vector<16xi32> -> vector<16xf32>
        %broadcast_in_dim3A_728 = vector.shape_cast %broadcast_in_dim3A_721 : vector<16xi32> to vector<16x1xi32>
        %gather3A_729 = vector.shape_cast %broadcast_in_dim3A_728 : vector<16x1xi32> to vector<16xi32>
        %gather3A_730 = tpu.dynamic_gather %get3A_580[%gather3A_729] in [0] : vector<16xf32>, vector<16xi32> -> vector<16xf32>
        %broadcast_in_dim3A_731 = vector.shape_cast %broadcast_in_dim3A_721 : vector<16xi32> to vector<16x1xi32>
        %gather3A_732 = vector.shape_cast %broadcast_in_dim3A_731 : vector<16x1xi32> to vector<16xi32>
        %gather3A_733 = tpu.dynamic_gather %get3A_583[%gather3A_732] in [0] : vector<16xf32>, vector<16xi32> -> vector<16xf32>
        %mul3A_734 = arith.mulf %mul3A_27, %gather3A_724 : vector<16xf32>
        %add3A_735 = arith.addf %gather3A_733, %mul3A_734 : vector<16xf32>
        %mul3A_736 = arith.mulf %mul3A_33, %gather3A_727 : vector<16xf32>
        %add3A_737 = arith.addf %add3A_735, %mul3A_736 : vector<16xf32>
        %mul3A_738 = arith.mulf %mul3A_39, %gather3A_730 : vector<16xf32>
        %add3A_739 = arith.addf %add3A_737, %mul3A_738 : vector<16xf32>
        %min3A_740 = arith.minimumf %min3A_625, %add3A_739 : vector<16xf32>
        %add3A_741 = arith.addf %add3A_739, %get3A_42 : vector<16xf32>
        %mul3A_742 = arith.mulf %mul3A_50, %gather3A_724 : vector<16xf32>
        %add3A_743 = arith.addf %gather3A_733, %mul3A_742 : vector<16xf32>
        %mul3A_744 = arith.mulf %mul3A_56, %gather3A_727 : vector<16xf32>
        %add3A_745 = arith.addf %add3A_743, %mul3A_744 : vector<16xf32>
        %mul3A_746 = arith.mulf %mul3A_62, %gather3A_730 : vector<16xf32>
        %add3A_747 = arith.addf %add3A_745, %mul3A_746 : vector<16xf32>
        %min3A_748 = arith.minimumf %min3A_633, %add3A_747 : vector<16xf32>
        %add3A_749 = arith.addf %add3A_747, %get3A_65 : vector<16xf32>
        %mul3A_750 = arith.mulf %mul3A_73, %gather3A_724 : vector<16xf32>
        %add3A_751 = arith.addf %gather3A_733, %mul3A_750 : vector<16xf32>
        %mul3A_752 = arith.mulf %mul3A_79, %gather3A_727 : vector<16xf32>
        %add3A_753 = arith.addf %add3A_751, %mul3A_752 : vector<16xf32>
        %mul3A_754 = arith.mulf %mul3A_85, %gather3A_730 : vector<16xf32>
        %add3A_755 = arith.addf %add3A_753, %mul3A_754 : vector<16xf32>
        %min3A_756 = arith.minimumf %min3A_641, %add3A_755 : vector<16xf32>
        %add3A_757 = arith.addf %add3A_755, %get3A_88 : vector<16xf32>
        %mul3A_758 = arith.mulf %mul3A_96, %gather3A_724 : vector<16xf32>
        %add3A_759 = arith.addf %gather3A_733, %mul3A_758 : vector<16xf32>
        %mul3A_760 = arith.mulf %mul3A_102, %gather3A_727 : vector<16xf32>
        %add3A_761 = arith.addf %add3A_759, %mul3A_760 : vector<16xf32>
        %mul3A_762 = arith.mulf %mul3A_108, %gather3A_730 : vector<16xf32>
        %add3A_763 = arith.addf %add3A_761, %mul3A_762 : vector<16xf32>
        %min3A_764 = arith.minimumf %min3A_649, %add3A_763 : vector<16xf32>
        %add3A_765 = arith.addf %add3A_763, %get3A_111 : vector<16xf32>
        %mul3A_766 = arith.mulf %mul3A_119, %gather3A_724 : vector<16xf32>
        %add3A_767 = arith.addf %gather3A_733, %mul3A_766 : vector<16xf32>
        %mul3A_768 = arith.mulf %mul3A_125, %gather3A_727 : vector<16xf32>
        %add3A_769 = arith.addf %add3A_767, %mul3A_768 : vector<16xf32>
        %mul3A_770 = arith.mulf %mul3A_131, %gather3A_730 : vector<16xf32>
        %add3A_771 = arith.addf %add3A_769, %mul3A_770 : vector<16xf32>
        %min3A_772 = arith.minimumf %min3A_657, %add3A_771 : vector<16xf32>
        %add3A_773 = arith.addf %add3A_771, %get3A_134 : vector<16xf32>
        %mul3A_774 = arith.mulf %mul3A_142, %gather3A_724 : vector<16xf32>
        %add3A_775 = arith.addf %gather3A_733, %mul3A_774 : vector<16xf32>
        %mul3A_776 = arith.mulf %mul3A_148, %gather3A_727 : vector<16xf32>
        %add3A_777 = arith.addf %add3A_775, %mul3A_776 : vector<16xf32>
        %mul3A_778 = arith.mulf %mul3A_154, %gather3A_730 : vector<16xf32>
        %add3A_779 = arith.addf %add3A_777, %mul3A_778 : vector<16xf32>
        %min3A_780 = arith.minimumf %min3A_665, %add3A_779 : vector<16xf32>
        %add3A_781 = arith.addf %add3A_779, %get3A_157 : vector<16xf32>
        %mul3A_782 = arith.mulf %mul3A_165, %gather3A_724 : vector<16xf32>
        %add3A_783 = arith.addf %gather3A_733, %mul3A_782 : vector<16xf32>
        %mul3A_784 = arith.mulf %mul3A_171, %gather3A_727 : vector<16xf32>
        %add3A_785 = arith.addf %add3A_783, %mul3A_784 : vector<16xf32>
        %mul3A_786 = arith.mulf %mul3A_177, %gather3A_730 : vector<16xf32>
        %add3A_787 = arith.addf %add3A_785, %mul3A_786 : vector<16xf32>
        %min3A_788 = arith.minimumf %min3A_673, %add3A_787 : vector<16xf32>
        %add3A_789 = arith.addf %add3A_787, %get3A_180 : vector<16xf32>
        %mul3A_790 = arith.mulf %mul3A_188, %gather3A_724 : vector<16xf32>
        %add3A_791 = arith.addf %gather3A_733, %mul3A_790 : vector<16xf32>
        %mul3A_792 = arith.mulf %mul3A_194, %gather3A_727 : vector<16xf32>
        %add3A_793 = arith.addf %add3A_791, %mul3A_792 : vector<16xf32>
        %mul3A_794 = arith.mulf %mul3A_200, %gather3A_730 : vector<16xf32>
        %add3A_795 = arith.addf %add3A_793, %mul3A_794 : vector<16xf32>
        %min3A_796 = arith.minimumf %min3A_681, %add3A_795 : vector<16xf32>
        %add3A_797 = arith.addf %add3A_795, %get3A_203 : vector<16xf32>
        %min3A_798 = arith.minimumf %add3A_741, %add3A_749 : vector<16xf32>
        %min3A_799 = arith.minimumf %add3A_757, %add3A_765 : vector<16xf32>
        %min3A_800 = arith.minimumf %add3A_773, %add3A_781 : vector<16xf32>
        %min3A_801 = arith.minimumf %add3A_789, %add3A_797 : vector<16xf32>
        %min3A_802 = arith.minimumf %min3A_798, %min3A_799 : vector<16xf32>
        %min3A_803 = arith.minimumf %min3A_800, %min3A_801 : vector<16xf32>
        %min3A_804 = arith.minimumf %min3A_802, %min3A_803 : vector<16xf32>
        %xor3A_805 = arith.constant 8 : i32
        %xor3A_806 = vector.broadcast %xor3A_805 : i32 to vector<16xi32>
        %xor3A_807 = arith.xori %iota3A, %xor3A_806 : vector<16xi32>
        %broadcast_in_dim3A_808 = vector.shape_cast %xor3A_807 : vector<16xi32> to vector<16x1xi32>
        %gather3A_809 = vector.shape_cast %broadcast_in_dim3A_808 : vector<16x1xi32> to vector<16xi32>
        %gather3A_810 = tpu.dynamic_gather %min3A_804[%gather3A_809] in [0] : vector<16xf32>, vector<16xi32> -> vector<16xf32>
        %min3A_811 = arith.minimumf %min3A_804, %gather3A_810 : vector<16xf32>
        %xor3A_812 = arith.constant 4 : i32
        %xor3A_813 = vector.broadcast %xor3A_812 : i32 to vector<16xi32>
        %xor3A_814 = arith.xori %iota3A, %xor3A_813 : vector<16xi32>
        %broadcast_in_dim3A_815 = vector.shape_cast %xor3A_814 : vector<16xi32> to vector<16x1xi32>
        %gather3A_816 = vector.shape_cast %broadcast_in_dim3A_815 : vector<16x1xi32> to vector<16xi32>
        %gather3A_817 = tpu.dynamic_gather %min3A_811[%gather3A_816] in [0] : vector<16xf32>, vector<16xi32> -> vector<16xf32>
        %min3A_818 = arith.minimumf %min3A_811, %gather3A_817 : vector<16xf32>
        %xor3A_819 = arith.constant 2 : i32
        %xor3A_820 = vector.broadcast %xor3A_819 : i32 to vector<16xi32>
        %xor3A_821 = arith.xori %iota3A, %xor3A_820 : vector<16xi32>
        %broadcast_in_dim3A_822 = vector.shape_cast %xor3A_821 : vector<16xi32> to vector<16x1xi32>
        %gather3A_823 = vector.shape_cast %broadcast_in_dim3A_822 : vector<16x1xi32> to vector<16xi32>
        %gather3A_824 = tpu.dynamic_gather %min3A_818[%gather3A_823] in [0] : vector<16xf32>, vector<16xi32> -> vector<16xf32>
        %min3A_825 = arith.minimumf %min3A_818, %gather3A_824 : vector<16xf32>
        %xor3A_826 = arith.constant 1 : i32
        %xor3A_827 = vector.broadcast %xor3A_826 : i32 to vector<16xi32>
        %xor3A_828 = arith.xori %iota3A, %xor3A_827 : vector<16xi32>
        %broadcast_in_dim3A_829 = vector.shape_cast %xor3A_828 : vector<16xi32> to vector<16x1xi32>
        %gather3A_830 = vector.shape_cast %broadcast_in_dim3A_829 : vector<16x1xi32> to vector<16xi32>
        %gather3A_831 = tpu.dynamic_gather %min3A_825[%gather3A_830] in [0] : vector<16xf32>, vector<16xi32> -> vector<16xf32>
        %min3A_832 = arith.minimumf %min3A_825, %gather3A_831 : vector<16xf32>
        %eq3A_833 = arith.cmpi eq, %iota3A, %broadcast_in_dim3A_721 : vector<16xi32>
        %jit3A_834 = arith.constant 0x7F800000 : f32
        %broadcast_in_dim3A_835 = vector.broadcast %jit3A_834 : f32 to vector<16xf32>
        %select_n3A_836 = arith.select %eq3A_833, %min3A_832, %broadcast_in_dim3A_835 : vector<16xi1>, vector<16xf32>
        %min3A_837 = arith.minimumf %min3A_718, %select_n3A_836 : vector<16xf32>
        scf.yield %min3A_740, %min3A_748, %min3A_756, %min3A_764, %min3A_772, %min3A_780, %min3A_788, %min3A_796, %min3A_837 : vector<16xf32>, vector<16xf32>, vector<16xf32>, vector<16xf32>, vector<16xf32>, vector<16xf32>, vector<16xf32>, vector<16xf32>, vector<16xf32>
      }
      %scan3A_589 = arith.constant 16 : i32
      %get3A_590 = arith.index_cast %mul3A_571 : i32 to index
      %get3A_591 = tpu.vector_load %arg18[%get3A_590] {strides = array<i32>} : memref<8192xf32, #tpu.memory_space<vmem>>, vector<16xf32>,
      %get3A_592 = vector.shape_cast %get3A_591 : vector<16xf32> to vector<16xf32>
      %min3A = arith.minimumf %get3A_592, %scan3A_588#8 : vector<16xf32>
      %swap3A_593 = arith.index_cast %mul3A_571 : i32 to index
      %swap3A_594 = tpu.vector_load %arg18[%swap3A_593] {strides = array<i32>} : memref<8192xf32, #tpu.memory_space<vmem>>, vector<16xf32>,
      %swap3A_595 = vector.shape_cast %swap3A_594 : vector<16xf32> to vector<16xf32>
      %swap3A_596 = vector.shape_cast %min3A : vector<16xf32> to vector<16xf32>
      tpu.vector_store %arg18[%swap3A_593], %swap3A_596 {strides = array<i32>} : memref<8192xf32, #tpu.memory_space<vmem>>, vector<16xf32>,
      scf.yield %scan3A_588#0, %scan3A_588#1, %scan3A_588#2, %scan3A_588#3, %scan3A_588#4, %scan3A_588#5, %scan3A_588#6, %scan3A_588#7 : vector<16xf32>, vector<16xf32>, vector<16xf32>, vector<16xf32>, vector<16xf32>, vector<16xf32>, vector<16xf32>, vector<16xf32>
    }
    %scan3A_209 = arith.constant 512 : i32
    %add3A_210 = arith.constant 0 : i32
    %add3A_211 = arith.addi %mul3A_2, %add3A_210 : i32
    %get3A_212 = arith.index_cast %add3A_211 : i32 to index
    %get3A_213 = tpu.vector_load %arg16[%get3A_212] {strides = array<i32>} : memref<8192xf32, #tpu.memory_space<vmem>>, vector<16xf32>,
    %get3A_214 = vector.shape_cast %get3A_213 : vector<16xf32> to vector<16xf32>
    %add3A_215 = arith.addf %get3A_214, %scan3A_208#0 : vector<16xf32>
    %swap3A = arith.constant 0 : index
    %swap3A_216 = tpu.vector_load %arg19[%swap3A] {strides = array<i32>} : memref<256xf32, #tpu.memory_space<vmem>>, vector<16xf32>,
    %swap3A_217 = vector.shape_cast %swap3A_216 : vector<16xf32> to vector<16xf32>
    %swap3A_218 = vector.shape_cast %add3A_215 : vector<16xf32> to vector<16xf32>
    tpu.vector_store %arg19[%swap3A], %swap3A_218 {strides = array<i32>} : memref<256xf32, #tpu.memory_space<vmem>>, vector<16xf32>,
    %add3A_219 = arith.constant 16 : i32
    %add3A_220 = arith.addi %mul3A_2, %add3A_219 : i32
    %get3A_221 = arith.index_cast %add3A_220 : i32 to index
    %get3A_222 = tpu.vector_load %arg16[%get3A_221] {strides = array<i32>} : memref<8192xf32, #tpu.memory_space<vmem>>, vector<16xf32>,
    %get3A_223 = vector.shape_cast %get3A_222 : vector<16xf32> to vector<16xf32>
    %add3A_224 = arith.addf %get3A_223, %scan3A_208#1 : vector<16xf32>
    %swap3A_225 = arith.constant 16 : index
    %swap3A_226 = tpu.vector_load %arg19[%swap3A_225] {strides = array<i32>} : memref<256xf32, #tpu.memory_space<vmem>>, vector<16xf32>,
    %swap3A_227 = vector.shape_cast %swap3A_226 : vector<16xf32> to vector<16xf32>
    %swap3A_228 = vector.shape_cast %add3A_224 : vector<16xf32> to vector<16xf32>
    tpu.vector_store %arg19[%swap3A_225], %swap3A_228 {strides = array<i32>} : memref<256xf32, #tpu.memory_space<vmem>>, vector<16xf32>,
    %add3A_229 = arith.constant 32 : i32
    %add3A_230 = arith.addi %mul3A_2, %add3A_229 : i32
    %get3A_231 = arith.index_cast %add3A_230 : i32 to index
    %get3A_232 = tpu.vector_load %arg16[%get3A_231] {strides = array<i32>} : memref<8192xf32, #tpu.memory_space<vmem>>, vector<16xf32>,
    %get3A_233 = vector.shape_cast %get3A_232 : vector<16xf32> to vector<16xf32>
    %add3A_234 = arith.addf %get3A_233, %scan3A_208#2 : vector<16xf32>
    %swap3A_235 = arith.constant 32 : index
    %swap3A_236 = tpu.vector_load %arg19[%swap3A_235] {strides = array<i32>} : memref<256xf32, #tpu.memory_space<vmem>>, vector<16xf32>,
    %swap3A_237 = vector.shape_cast %swap3A_236 : vector<16xf32> to vector<16xf32>
    %swap3A_238 = vector.shape_cast %add3A_234 : vector<16xf32> to vector<16xf32>
    tpu.vector_store %arg19[%swap3A_235], %swap3A_238 {strides = array<i32>} : memref<256xf32, #tpu.memory_space<vmem>>, vector<16xf32>,
    %add3A_239 = arith.constant 48 : i32
    %add3A_240 = arith.addi %mul3A_2, %add3A_239 : i32
    %get3A_241 = arith.index_cast %add3A_240 : i32 to index
    %get3A_242 = tpu.vector_load %arg16[%get3A_241] {strides = array<i32>} : memref<8192xf32, #tpu.memory_space<vmem>>, vector<16xf32>,
    %get3A_243 = vector.shape_cast %get3A_242 : vector<16xf32> to vector<16xf32>
    %add3A_244 = arith.addf %get3A_243, %scan3A_208#3 : vector<16xf32>
    %swap3A_245 = arith.constant 48 : index
    %swap3A_246 = tpu.vector_load %arg19[%swap3A_245] {strides = array<i32>} : memref<256xf32, #tpu.memory_space<vmem>>, vector<16xf32>,
    %swap3A_247 = vector.shape_cast %swap3A_246 : vector<16xf32> to vector<16xf32>
    %swap3A_248 = vector.shape_cast %add3A_244 : vector<16xf32> to vector<16xf32>
    tpu.vector_store %arg19[%swap3A_245], %swap3A_248 {strides = array<i32>} : memref<256xf32, #tpu.memory_space<vmem>>, vector<16xf32>,
    %add3A_249 = arith.constant 64 : i32
    %add3A_250 = arith.addi %mul3A_2, %add3A_249 : i32
    %get3A_251 = arith.index_cast %add3A_250 : i32 to index
    %get3A_252 = tpu.vector_load %arg16[%get3A_251] {strides = array<i32>} : memref<8192xf32, #tpu.memory_space<vmem>>, vector<16xf32>,
    %get3A_253 = vector.shape_cast %get3A_252 : vector<16xf32> to vector<16xf32>
    %add3A_254 = arith.addf %get3A_253, %scan3A_208#4 : vector<16xf32>
    %swap3A_255 = arith.constant 64 : index
    %swap3A_256 = tpu.vector_load %arg19[%swap3A_255] {strides = array<i32>} : memref<256xf32, #tpu.memory_space<vmem>>, vector<16xf32>,
    %swap3A_257 = vector.shape_cast %swap3A_256 : vector<16xf32> to vector<16xf32>
    %swap3A_258 = vector.shape_cast %add3A_254 : vector<16xf32> to vector<16xf32>
    tpu.vector_store %arg19[%swap3A_255], %swap3A_258 {strides = array<i32>} : memref<256xf32, #tpu.memory_space<vmem>>, vector<16xf32>,
    %add3A_259 = arith.constant 80 : i32
    %add3A_260 = arith.addi %mul3A_2, %add3A_259 : i32
    %get3A_261 = arith.index_cast %add3A_260 : i32 to index
    %get3A_262 = tpu.vector_load %arg16[%get3A_261] {strides = array<i32>} : memref<8192xf32, #tpu.memory_space<vmem>>, vector<16xf32>,
    %get3A_263 = vector.shape_cast %get3A_262 : vector<16xf32> to vector<16xf32>
    %add3A_264 = arith.addf %get3A_263, %scan3A_208#5 : vector<16xf32>
    %swap3A_265 = arith.constant 80 : index
    %swap3A_266 = tpu.vector_load %arg19[%swap3A_265] {strides = array<i32>} : memref<256xf32, #tpu.memory_space<vmem>>, vector<16xf32>,
    %swap3A_267 = vector.shape_cast %swap3A_266 : vector<16xf32> to vector<16xf32>
    %swap3A_268 = vector.shape_cast %add3A_264 : vector<16xf32> to vector<16xf32>
    tpu.vector_store %arg19[%swap3A_265], %swap3A_268 {strides = array<i32>} : memref<256xf32, #tpu.memory_space<vmem>>, vector<16xf32>,
    %add3A_269 = arith.constant 96 : i32
    %add3A_270 = arith.addi %mul3A_2, %add3A_269 : i32
    %get3A_271 = arith.index_cast %add3A_270 : i32 to index
    %get3A_272 = tpu.vector_load %arg16[%get3A_271] {strides = array<i32>} : memref<8192xf32, #tpu.memory_space<vmem>>, vector<16xf32>,
    %get3A_273 = vector.shape_cast %get3A_272 : vector<16xf32> to vector<16xf32>
    %add3A_274 = arith.addf %get3A_273, %scan3A_208#6 : vector<16xf32>
    %swap3A_275 = arith.constant 96 : index
    %swap3A_276 = tpu.vector_load %arg19[%swap3A_275] {strides = array<i32>} : memref<256xf32, #tpu.memory_space<vmem>>, vector<16xf32>,
    %swap3A_277 = vector.shape_cast %swap3A_276 : vector<16xf32> to vector<16xf32>
    %swap3A_278 = vector.shape_cast %add3A_274 : vector<16xf32> to vector<16xf32>
    tpu.vector_store %arg19[%swap3A_275], %swap3A_278 {strides = array<i32>} : memref<256xf32, #tpu.memory_space<vmem>>, vector<16xf32>,
    %add3A_279 = arith.constant 112 : i32
    %add3A_280 = arith.addi %mul3A_2, %add3A_279 : i32
    %get3A_281 = arith.index_cast %add3A_280 : i32 to index
    %get3A_282 = tpu.vector_load %arg16[%get3A_281] {strides = array<i32>} : memref<8192xf32, #tpu.memory_space<vmem>>, vector<16xf32>,
    %get3A_283 = vector.shape_cast %get3A_282 : vector<16xf32> to vector<16xf32>
    %add3A_284 = arith.addf %get3A_283, %scan3A_208#7 : vector<16xf32>
    %swap3A_285 = arith.constant 112 : index
    %swap3A_286 = tpu.vector_load %arg19[%swap3A_285] {strides = array<i32>} : memref<256xf32, #tpu.memory_space<vmem>>, vector<16xf32>,
    %swap3A_287 = vector.shape_cast %swap3A_286 : vector<16xf32> to vector<16xf32>
    %swap3A_288 = vector.shape_cast %add3A_284 : vector<16xf32> to vector<16xf32>
    tpu.vector_store %arg19[%swap3A_285], %swap3A_288 {strides = array<i32>} : memref<256xf32, #tpu.memory_space<vmem>>, vector<16xf32>,
    %add3A_289 = arith.constant 128 : i32
    %add3A_290 = arith.addi %mul3A_2, %add3A_289 : i32
    %get3A_291 = arith.index_cast %add3A_290 : i32 to index
    %get3A_292 = tpu.vector_load %arg10[%get3A_291] {strides = array<i32>} : memref<8192xf32, #tpu.memory_space<vmem>>, vector<16xf32>,
    %get3A_293 = vector.shape_cast %get3A_292 : vector<16xf32> to vector<16xf32>
    %mul3A_294 = arith.constant -2.000000e+00 : f32
    %mul3A_295 = vector.broadcast %mul3A_294 : f32 to vector<16xf32>
    %mul3A_296 = arith.mulf %get3A_293, %mul3A_295 : vector<16xf32>
    %get3A_297 = arith.index_cast %add3A_290 : i32 to index
    %get3A_298 = tpu.vector_load %arg11[%get3A_297] {strides = array<i32>} : memref<8192xf32, #tpu.memory_space<vmem>>, vector<16xf32>,
    %get3A_299 = vector.shape_cast %get3A_298 : vector<16xf32> to vector<16xf32>
    %mul3A_300 = arith.constant -2.000000e+00 : f32
    %mul3A_301 = vector.broadcast %mul3A_300 : f32 to vector<16xf32>
    %mul3A_302 = arith.mulf %get3A_299, %mul3A_301 : vector<16xf32>
    %get3A_303 = arith.index_cast %add3A_290 : i32 to index
    %get3A_304 = tpu.vector_load %arg12[%get3A_303] {strides = array<i32>} : memref<8192xf32, #tpu.memory_space<vmem>>, vector<16xf32>,
    %get3A_305 = vector.shape_cast %get3A_304 : vector<16xf32> to vector<16xf32>
    %mul3A_306 = arith.constant -2.000000e+00 : f32
    %mul3A_307 = vector.broadcast %mul3A_306 : f32 to vector<16xf32>
    %mul3A_308 = arith.mulf %get3A_305, %mul3A_307 : vector<16xf32>
    %get3A_309 = arith.index_cast %add3A_290 : i32 to index
    %get3A_310 = tpu.vector_load %arg16[%get3A_309] {strides = array<i32>} : memref<8192xf32, #tpu.memory_space<vmem>>, vector<16xf32>,
    %get3A_311 = vector.shape_cast %get3A_310 : vector<16xf32> to vector<16xf32>
    %add3A_312 = arith.constant 144 : i32
    %add3A_313 = arith.addi %mul3A_2, %add3A_312 : i32
    %get3A_314 = arith.index_cast %add3A_313 : i32 to index
    %get3A_315 = tpu.vector_load %arg10[%get3A_314] {strides = array<i32>} : memref<8192xf32, #tpu.memory_space<vmem>>, vector<16xf32>,
    %get3A_316 = vector.shape_cast %get3A_315 : vector<16xf32> to vector<16xf32>
    %mul3A_317 = arith.constant -2.000000e+00 : f32
    %mul3A_318 = vector.broadcast %mul3A_317 : f32 to vector<16xf32>
    %mul3A_319 = arith.mulf %get3A_316, %mul3A_318 : vector<16xf32>
    %get3A_320 = arith.index_cast %add3A_313 : i32 to index
    %get3A_321 = tpu.vector_load %arg11[%get3A_320] {strides = array<i32>} : memref<8192xf32, #tpu.memory_space<vmem>>, vector<16xf32>,
    %get3A_322 = vector.shape_cast %get3A_321 : vector<16xf32> to vector<16xf32>
    %mul3A_323 = arith.constant -2.000000e+00 : f32
    %mul3A_324 = vector.broadcast %mul3A_323 : f32 to vector<16xf32>
    %mul3A_325 = arith.mulf %get3A_322, %mul3A_324 : vector<16xf32>
    %get3A_326 = arith.index_cast %add3A_313 : i32 to index
    %get3A_327 = tpu.vector_load %arg12[%get3A_326] {strides = array<i32>} : memref<8192xf32, #tpu.memory_space<vmem>>, vector<16xf32>,
    %get3A_328 = vector.shape_cast %get3A_327 : vector<16xf32> to vector<16xf32>
    %mul3A_329 = arith.constant -2.000000e+00 : f32
    %mul3A_330 = vector.broadcast %mul3A_329 : f32 to vector<16xf32>
    %mul3A_331 = arith.mulf %get3A_328, %mul3A_330 : vector<16xf32>
    %get3A_332 = arith.index_cast %add3A_313 : i32 to index
    %get3A_333 = tpu.vector_load %arg16[%get3A_332] {strides = array<i32>} : memref<8192xf32, #tpu.memory_space<vmem>>, vector<16xf32>,
    %get3A_334 = vector.shape_cast %get3A_333 : vector<16xf32> to vector<16xf32>
    %add3A_335 = arith.constant 160 : i32
    %add3A_336 = arith.addi %mul3A_2, %add3A_335 : i32
    %get3A_337 = arith.index_cast %add3A_336 : i32 to index
    %get3A_338 = tpu.vector_load %arg10[%get3A_337] {strides = array<i32>} : memref<8192xf32, #tpu.memory_space<vmem>>, vector<16xf32>,
    %get3A_339 = vector.shape_cast %get3A_338 : vector<16xf32> to vector<16xf32>
    %mul3A_340 = arith.constant -2.000000e+00 : f32
    %mul3A_341 = vector.broadcast %mul3A_340 : f32 to vector<16xf32>
    %mul3A_342 = arith.mulf %get3A_339, %mul3A_341 : vector<16xf32>
    %get3A_343 = arith.index_cast %add3A_336 : i32 to index
    %get3A_344 = tpu.vector_load %arg11[%get3A_343] {strides = array<i32>} : memref<8192xf32, #tpu.memory_space<vmem>>, vector<16xf32>,
    %get3A_345 = vector.shape_cast %get3A_344 : vector<16xf32> to vector<16xf32>
    %mul3A_346 = arith.constant -2.000000e+00 : f32
    %mul3A_347 = vector.broadcast %mul3A_346 : f32 to vector<16xf32>
    %mul3A_348 = arith.mulf %get3A_345, %mul3A_347 : vector<16xf32>
    %get3A_349 = arith.index_cast %add3A_336 : i32 to index
    %get3A_350 = tpu.vector_load %arg12[%get3A_349] {strides = array<i32>} : memref<8192xf32, #tpu.memory_space<vmem>>, vector<16xf32>,
    %get3A_351 = vector.shape_cast %get3A_350 : vector<16xf32> to vector<16xf32>
    %mul3A_352 = arith.constant -2.000000e+00 : f32
    %mul3A_353 = vector.broadcast %mul3A_352 : f32 to vector<16xf32>
    %mul3A_354 = arith.mulf %get3A_351, %mul3A_353 : vector<16xf32>
    %get3A_355 = arith.index_cast %add3A_336 : i32 to index
    %get3A_356 = tpu.vector_load %arg16[%get3A_355] {strides = array<i32>} : memref<8192xf32, #tpu.memory_space<vmem>>, vector<16xf32>,
    %get3A_357 = vector.shape_cast %get3A_356 : vector<16xf32> to vector<16xf32>
    %add3A_358 = arith.constant 176 : i32
    %add3A_359 = arith.addi %mul3A_2, %add3A_358 : i32
    %get3A_360 = arith.index_cast %add3A_359 : i32 to index
    %get3A_361 = tpu.vector_load %arg10[%get3A_360] {strides = array<i32>} : memref<8192xf32, #tpu.memory_space<vmem>>, vector<16xf32>,
    %get3A_362 = vector.shape_cast %get3A_361 : vector<16xf32> to vector<16xf32>
    %mul3A_363 = arith.constant -2.000000e+00 : f32
    %mul3A_364 = vector.broadcast %mul3A_363 : f32 to vector<16xf32>
    %mul3A_365 = arith.mulf %get3A_362, %mul3A_364 : vector<16xf32>
    %get3A_366 = arith.index_cast %add3A_359 : i32 to index
    %get3A_367 = tpu.vector_load %arg11[%get3A_366] {strides = array<i32>} : memref<8192xf32, #tpu.memory_space<vmem>>, vector<16xf32>,
    %get3A_368 = vector.shape_cast %get3A_367 : vector<16xf32> to vector<16xf32>
    %mul3A_369 = arith.constant -2.000000e+00 : f32
    %mul3A_370 = vector.broadcast %mul3A_369 : f32 to vector<16xf32>
    %mul3A_371 = arith.mulf %get3A_368, %mul3A_370 : vector<16xf32>
    %get3A_372 = arith.index_cast %add3A_359 : i32 to index
    %get3A_373 = tpu.vector_load %arg12[%get3A_372] {strides = array<i32>} : memref<8192xf32, #tpu.memory_space<vmem>>, vector<16xf32>,
    %get3A_374 = vector.shape_cast %get3A_373 : vector<16xf32> to vector<16xf32>
    %mul3A_375 = arith.constant -2.000000e+00 : f32
    %mul3A_376 = vector.broadcast %mul3A_375 : f32 to vector<16xf32>
    %mul3A_377 = arith.mulf %get3A_374, %mul3A_376 : vector<16xf32>
    %get3A_378 = arith.index_cast %add3A_359 : i32 to index
    %get3A_379 = tpu.vector_load %arg16[%get3A_378] {strides = array<i32>} : memref<8192xf32, #tpu.memory_space<vmem>>, vector<16xf32>,
    %get3A_380 = vector.shape_cast %get3A_379 : vector<16xf32> to vector<16xf32>
    %add3A_381 = arith.constant 192 : i32
    %add3A_382 = arith.addi %mul3A_2, %add3A_381 : i32
    %get3A_383 = arith.index_cast %add3A_382 : i32 to index
    %get3A_384 = tpu.vector_load %arg10[%get3A_383] {strides = array<i32>} : memref<8192xf32, #tpu.memory_space<vmem>>, vector<16xf32>,
    %get3A_385 = vector.shape_cast %get3A_384 : vector<16xf32> to vector<16xf32>
    %mul3A_386 = arith.constant -2.000000e+00 : f32
    %mul3A_387 = vector.broadcast %mul3A_386 : f32 to vector<16xf32>
    %mul3A_388 = arith.mulf %get3A_385, %mul3A_387 : vector<16xf32>
    %get3A_389 = arith.index_cast %add3A_382 : i32 to index
    %get3A_390 = tpu.vector_load %arg11[%get3A_389] {strides = array<i32>} : memref<8192xf32, #tpu.memory_space<vmem>>, vector<16xf32>,
    %get3A_391 = vector.shape_cast %get3A_390 : vector<16xf32> to vector<16xf32>
    %mul3A_392 = arith.constant -2.000000e+00 : f32
    %mul3A_393 = vector.broadcast %mul3A_392 : f32 to vector<16xf32>
    %mul3A_394 = arith.mulf %get3A_391, %mul3A_393 : vector<16xf32>
    %get3A_395 = arith.index_cast %add3A_382 : i32 to index
    %get3A_396 = tpu.vector_load %arg12[%get3A_395] {strides = array<i32>} : memref<8192xf32, #tpu.memory_space<vmem>>, vector<16xf32>,
    %get3A_397 = vector.shape_cast %get3A_396 : vector<16xf32> to vector<16xf32>
    %mul3A_398 = arith.constant -2.000000e+00 : f32
    %mul3A_399 = vector.broadcast %mul3A_398 : f32 to vector<16xf32>
    %mul3A_400 = arith.mulf %get3A_397, %mul3A_399 : vector<16xf32>
    %get3A_401 = arith.index_cast %add3A_382 : i32 to index
    %get3A_402 = tpu.vector_load %arg16[%get3A_401] {strides = array<i32>} : memref<8192xf32, #tpu.memory_space<vmem>>, vector<16xf32>,
    %get3A_403 = vector.shape_cast %get3A_402 : vector<16xf32> to vector<16xf32>
    %add3A_404 = arith.constant 208 : i32
    %add3A_405 = arith.addi %mul3A_2, %add3A_404 : i32
    %get3A_406 = arith.index_cast %add3A_405 : i32 to index
    %get3A_407 = tpu.vector_load %arg10[%get3A_406] {strides = array<i32>} : memref<8192xf32, #tpu.memory_space<vmem>>, vector<16xf32>,
    %get3A_408 = vector.shape_cast %get3A_407 : vector<16xf32> to vector<16xf32>
    %mul3A_409 = arith.constant -2.000000e+00 : f32
    %mul3A_410 = vector.broadcast %mul3A_409 : f32 to vector<16xf32>
    %mul3A_411 = arith.mulf %get3A_408, %mul3A_410 : vector<16xf32>
    %get3A_412 = arith.index_cast %add3A_405 : i32 to index
    %get3A_413 = tpu.vector_load %arg11[%get3A_412] {strides = array<i32>} : memref<8192xf32, #tpu.memory_space<vmem>>, vector<16xf32>,
    %get3A_414 = vector.shape_cast %get3A_413 : vector<16xf32> to vector<16xf32>
    %mul3A_415 = arith.constant -2.000000e+00 : f32
    %mul3A_416 = vector.broadcast %mul3A_415 : f32 to vector<16xf32>
    %mul3A_417 = arith.mulf %get3A_414, %mul3A_416 : vector<16xf32>
    %get3A_418 = arith.index_cast %add3A_405 : i32 to index
    %get3A_419 = tpu.vector_load %arg12[%get3A_418] {strides = array<i32>} : memref<8192xf32, #tpu.memory_space<vmem>>, vector<16xf32>,
    %get3A_420 = vector.shape_cast %get3A_419 : vector<16xf32> to vector<16xf32>
    %mul3A_421 = arith.constant -2.000000e+00 : f32
    %mul3A_422 = vector.broadcast %mul3A_421 : f32 to vector<16xf32>
    %mul3A_423 = arith.mulf %get3A_420, %mul3A_422 : vector<16xf32>
    %get3A_424 = arith.index_cast %add3A_405 : i32 to index
    %get3A_425 = tpu.vector_load %arg16[%get3A_424] {strides = array<i32>} : memref<8192xf32, #tpu.memory_space<vmem>>, vector<16xf32>,
    %get3A_426 = vector.shape_cast %get3A_425 : vector<16xf32> to vector<16xf32>
    %add3A_427 = arith.constant 224 : i32
    %add3A_428 = arith.addi %mul3A_2, %add3A_427 : i32
    %get3A_429 = arith.index_cast %add3A_428 : i32 to index
    %get3A_430 = tpu.vector_load %arg10[%get3A_429] {strides = array<i32>} : memref<8192xf32, #tpu.memory_space<vmem>>, vector<16xf32>,
    %get3A_431 = vector.shape_cast %get3A_430 : vector<16xf32> to vector<16xf32>
    %mul3A_432 = arith.constant -2.000000e+00 : f32
    %mul3A_433 = vector.broadcast %mul3A_432 : f32 to vector<16xf32>
    %mul3A_434 = arith.mulf %get3A_431, %mul3A_433 : vector<16xf32>
    %get3A_435 = arith.index_cast %add3A_428 : i32 to index
    %get3A_436 = tpu.vector_load %arg11[%get3A_435] {strides = array<i32>} : memref<8192xf32, #tpu.memory_space<vmem>>, vector<16xf32>,
    %get3A_437 = vector.shape_cast %get3A_436 : vector<16xf32> to vector<16xf32>
    %mul3A_438 = arith.constant -2.000000e+00 : f32
    %mul3A_439 = vector.broadcast %mul3A_438 : f32 to vector<16xf32>
    %mul3A_440 = arith.mulf %get3A_437, %mul3A_439 : vector<16xf32>
    %get3A_441 = arith.index_cast %add3A_428 : i32 to index
    %get3A_442 = tpu.vector_load %arg12[%get3A_441] {strides = array<i32>} : memref<8192xf32, #tpu.memory_space<vmem>>, vector<16xf32>,
    %get3A_443 = vector.shape_cast %get3A_442 : vector<16xf32> to vector<16xf32>
    %mul3A_444 = arith.constant -2.000000e+00 : f32
    %mul3A_445 = vector.broadcast %mul3A_444 : f32 to vector<16xf32>
    %mul3A_446 = arith.mulf %get3A_443, %mul3A_445 : vector<16xf32>
    %get3A_447 = arith.index_cast %add3A_428 : i32 to index
    %get3A_448 = tpu.vector_load %arg16[%get3A_447] {strides = array<i32>} : memref<8192xf32, #tpu.memory_space<vmem>>, vector<16xf32>,
    %get3A_449 = vector.shape_cast %get3A_448 : vector<16xf32> to vector<16xf32>
    %add3A_450 = arith.constant 240 : i32
    %add3A_451 = arith.addi %mul3A_2, %add3A_450 : i32
    %get3A_452 = arith.index_cast %add3A_451 : i32 to index
    %get3A_453 = tpu.vector_load %arg10[%get3A_452] {strides = array<i32>} : memref<8192xf32, #tpu.memory_space<vmem>>, vector<16xf32>,
    %get3A_454 = vector.shape_cast %get3A_453 : vector<16xf32> to vector<16xf32>
    %mul3A_455 = arith.constant -2.000000e+00 : f32
    %mul3A_456 = vector.broadcast %mul3A_455 : f32 to vector<16xf32>
    %mul3A_457 = arith.mulf %get3A_454, %mul3A_456 : vector<16xf32>
    %get3A_458 = arith.index_cast %add3A_451 : i32 to index
    %get3A_459 = tpu.vector_load %arg11[%get3A_458] {strides = array<i32>} : memref<8192xf32, #tpu.memory_space<vmem>>, vector<16xf32>,
    %get3A_460 = vector.shape_cast %get3A_459 : vector<16xf32> to vector<16xf32>
    %mul3A_461 = arith.constant -2.000000e+00 : f32
    %mul3A_462 = vector.broadcast %mul3A_461 : f32 to vector<16xf32>
    %mul3A_463 = arith.mulf %get3A_460, %mul3A_462 : vector<16xf32>
    %get3A_464 = arith.index_cast %add3A_451 : i32 to index
    %get3A_465 = tpu.vector_load %arg12[%get3A_464] {strides = array<i32>} : memref<8192xf32, #tpu.memory_space<vmem>>, vector<16xf32>,
    %get3A_466 = vector.shape_cast %get3A_465 : vector<16xf32> to vector<16xf32>
    %mul3A_467 = arith.constant -2.000000e+00 : f32
    %mul3A_468 = vector.broadcast %mul3A_467 : f32 to vector<16xf32>
    %mul3A_469 = arith.mulf %get3A_466, %mul3A_468 : vector<16xf32>
    %get3A_470 = arith.index_cast %add3A_451 : i32 to index
    %get3A_471 = tpu.vector_load %arg16[%get3A_470] {strides = array<i32>} : memref<8192xf32, #tpu.memory_space<vmem>>, vector<16xf32>,
    %get3A_472 = vector.shape_cast %get3A_471 : vector<16xf32> to vector<16xf32>
    %scan3A_473 = arith.constant 0 : i32
    %scan3A_474 = arith.constant 512 : i32
    %scan3A_475 = arith.addi %scan3A_473, %scan3A_474 : i32
    %scan3A_476 = arith.constant 1 : i32
    %scan3A_477:8 = scf.for %scan3A_561 = %scan3A_473 to %scan3A_475 step %scan3A_476 iter_args(%scan3A_562 = %broadcast_in_dim3A_14, %scan3A_563 = %broadcast_in_dim3A_14, %scan3A_564 = %broadcast_in_dim3A_14, %scan3A_565 = %broadcast_in_dim3A_14, %scan3A_566 = %broadcast_in_dim3A_14, %scan3A_567 = %broadcast_in_dim3A_14, %scan3A_568 = %broadcast_in_dim3A_14, %scan3A_569 = %broadcast_in_dim3A_14) -> (vector<16xf32>, vector<16xf32>, vector<16xf32>, vector<16xf32>, vector<16xf32>, vector<16xf32>, vector<16xf32>, vector<16xf32>)  : i32 {
      %mul3A_570 = arith.constant 16 : i32
      %mul3A_571 = arith.muli %scan3A_561, %mul3A_570 : i32
      %get3A_572 = arith.index_cast %mul3A_571 : i32 to index
      %get3A_573 = tpu.vector_load %arg13[%get3A_572] {strides = array<i32>} : memref<8192xf32, #tpu.memory_space<vmem>>, vector<16xf32>,
      %get3A_574 = vector.shape_cast %get3A_573 : vector<16xf32> to vector<16xf32>
      %get3A_575 = arith.index_cast %mul3A_571 : i32 to index
      %get3A_576 = tpu.vector_load %arg14[%get3A_575] {strides = array<i32>} : memref<8192xf32, #tpu.memory_space<vmem>>, vector<16xf32>,
      %get3A_577 = vector.shape_cast %get3A_576 : vector<16xf32> to vector<16xf32>
      %get3A_578 = arith.index_cast %mul3A_571 : i32 to index
      %get3A_579 = tpu.vector_load %arg15[%get3A_578] {strides = array<i32>} : memref<8192xf32, #tpu.memory_space<vmem>>, vector<16xf32>,
      %get3A_580 = vector.shape_cast %get3A_579 : vector<16xf32> to vector<16xf32>
      %get3A_581 = arith.index_cast %mul3A_571 : i32 to index
      %get3A_582 = tpu.vector_load %arg17[%get3A_581] {strides = array<i32>} : memref<8192xf32, #tpu.memory_space<vmem>>, vector<16xf32>,
      %get3A_583 = vector.shape_cast %get3A_582 : vector<16xf32> to vector<16xf32>
      %scan3A_584 = arith.constant 0 : i32
      %scan3A_585 = arith.constant 16 : i32
      %scan3A_586 = arith.addi %scan3A_584, %scan3A_585 : i32
      %scan3A_587 = arith.constant 2 : i32
      %scan3A_588:9 = scf.for %scan3A_597 = %scan3A_584 to %scan3A_586 step %scan3A_587 iter_args(%scan3A_598 = %scan3A_562, %scan3A_599 = %scan3A_563, %scan3A_600 = %scan3A_564, %scan3A_601 = %scan3A_565, %scan3A_602 = %scan3A_566, %scan3A_603 = %scan3A_567, %scan3A_604 = %scan3A_568, %scan3A_605 = %scan3A_569, %scan3A_606 = %broadcast_in_dim3A_14) -> (vector<16xf32>, vector<16xf32>, vector<16xf32>, vector<16xf32>, vector<16xf32>, vector<16xf32>, vector<16xf32>, vector<16xf32>, vector<16xf32>)  : i32 {
        %broadcast_in_dim3A_607 = vector.broadcast %scan3A_597 : i32 to vector<16xi32>
        %broadcast_in_dim3A_608 = vector.shape_cast %broadcast_in_dim3A_607 : vector<16xi32> to vector<16x1xi32>
        %gather3A = vector.shape_cast %broadcast_in_dim3A_608 : vector<16x1xi32> to vector<16xi32>
        %gather3A_609 = tpu.dynamic_gather %get3A_574[%gather3A] in [0] : vector<16xf32>, vector<16xi32> -> vector<16xf32>
        %broadcast_in_dim3A_610 = vector.shape_cast %broadcast_in_dim3A_607 : vector<16xi32> to vector<16x1xi32>
        %gather3A_611 = vector.shape_cast %broadcast_in_dim3A_610 : vector<16x1xi32> to vector<16xi32>
        %gather3A_612 = tpu.dynamic_gather %get3A_577[%gather3A_611] in [0] : vector<16xf32>, vector<16xi32> -> vector<16xf32>
        %broadcast_in_dim3A_613 = vector.shape_cast %broadcast_in_dim3A_607 : vector<16xi32> to vector<16x1xi32>
        %gather3A_614 = vector.shape_cast %broadcast_in_dim3A_613 : vector<16x1xi32> to vector<16xi32>
        %gather3A_615 = tpu.dynamic_gather %get3A_580[%gather3A_614] in [0] : vector<16xf32>, vector<16xi32> -> vector<16xf32>
        %broadcast_in_dim3A_616 = vector.shape_cast %broadcast_in_dim3A_607 : vector<16xi32> to vector<16x1xi32>
        %gather3A_617 = vector.shape_cast %broadcast_in_dim3A_616 : vector<16x1xi32> to vector<16xi32>
        %gather3A_618 = tpu.dynamic_gather %get3A_583[%gather3A_617] in [0] : vector<16xf32>, vector<16xi32> -> vector<16xf32>
        %mul3A_619 = arith.mulf %mul3A_296, %gather3A_609 : vector<16xf32>
        %add3A_620 = arith.addf %gather3A_618, %mul3A_619 : vector<16xf32>
        %mul3A_621 = arith.mulf %mul3A_302, %gather3A_612 : vector<16xf32>
        %add3A_622 = arith.addf %add3A_620, %mul3A_621 : vector<16xf32>
        %mul3A_623 = arith.mulf %mul3A_308, %gather3A_615 : vector<16xf32>
        %add3A_624 = arith.addf %add3A_622, %mul3A_623 : vector<16xf32>
        %min3A_625 = arith.minimumf %scan3A_598, %add3A_624 : vector<16xf32>
        %add3A_626 = arith.addf %add3A_624, %get3A_311 : vector<16xf32>
        %mul3A_627 = arith.mulf %mul3A_319, %gather3A_609 : vector<16xf32>
        %add3A_628 = arith.addf %gather3A_618, %mul3A_627 : vector<16xf32>
        %mul3A_629 = arith.mulf %mul3A_325, %gather3A_612 : vector<16xf32>
        %add3A_630 = arith.addf %add3A_628, %mul3A_629 : vector<16xf32>
        %mul3A_631 = arith.mulf %mul3A_331, %gather3A_615 : vector<16xf32>
        %add3A_632 = arith.addf %add3A_630, %mul3A_631 : vector<16xf32>
        %min3A_633 = arith.minimumf %scan3A_599, %add3A_632 : vector<16xf32>
        %add3A_634 = arith.addf %add3A_632, %get3A_334 : vector<16xf32>
        %mul3A_635 = arith.mulf %mul3A_342, %gather3A_609 : vector<16xf32>
        %add3A_636 = arith.addf %gather3A_618, %mul3A_635 : vector<16xf32>
        %mul3A_637 = arith.mulf %mul3A_348, %gather3A_612 : vector<16xf32>
        %add3A_638 = arith.addf %add3A_636, %mul3A_637 : vector<16xf32>
        %mul3A_639 = arith.mulf %mul3A_354, %gather3A_615 : vector<16xf32>
        %add3A_640 = arith.addf %add3A_638, %mul3A_639 : vector<16xf32>
        %min3A_641 = arith.minimumf %scan3A_600, %add3A_640 : vector<16xf32>
        %add3A_642 = arith.addf %add3A_640, %get3A_357 : vector<16xf32>
        %mul3A_643 = arith.mulf %mul3A_365, %gather3A_609 : vector<16xf32>
        %add3A_644 = arith.addf %gather3A_618, %mul3A_643 : vector<16xf32>
        %mul3A_645 = arith.mulf %mul3A_371, %gather3A_612 : vector<16xf32>
        %add3A_646 = arith.addf %add3A_644, %mul3A_645 : vector<16xf32>
        %mul3A_647 = arith.mulf %mul3A_377, %gather3A_615 : vector<16xf32>
        %add3A_648 = arith.addf %add3A_646, %mul3A_647 : vector<16xf32>
        %min3A_649 = arith.minimumf %scan3A_601, %add3A_648 : vector<16xf32>
        %add3A_650 = arith.addf %add3A_648, %get3A_380 : vector<16xf32>
        %mul3A_651 = arith.mulf %mul3A_388, %gather3A_609 : vector<16xf32>
        %add3A_652 = arith.addf %gather3A_618, %mul3A_651 : vector<16xf32>
        %mul3A_653 = arith.mulf %mul3A_394, %gather3A_612 : vector<16xf32>
        %add3A_654 = arith.addf %add3A_652, %mul3A_653 : vector<16xf32>
        %mul3A_655 = arith.mulf %mul3A_400, %gather3A_615 : vector<16xf32>
        %add3A_656 = arith.addf %add3A_654, %mul3A_655 : vector<16xf32>
        %min3A_657 = arith.minimumf %scan3A_602, %add3A_656 : vector<16xf32>
        %add3A_658 = arith.addf %add3A_656, %get3A_403 : vector<16xf32>
        %mul3A_659 = arith.mulf %mul3A_411, %gather3A_609 : vector<16xf32>
        %add3A_660 = arith.addf %gather3A_618, %mul3A_659 : vector<16xf32>
        %mul3A_661 = arith.mulf %mul3A_417, %gather3A_612 : vector<16xf32>
        %add3A_662 = arith.addf %add3A_660, %mul3A_661 : vector<16xf32>
        %mul3A_663 = arith.mulf %mul3A_423, %gather3A_615 : vector<16xf32>
        %add3A_664 = arith.addf %add3A_662, %mul3A_663 : vector<16xf32>
        %min3A_665 = arith.minimumf %scan3A_603, %add3A_664 : vector<16xf32>
        %add3A_666 = arith.addf %add3A_664, %get3A_426 : vector<16xf32>
        %mul3A_667 = arith.mulf %mul3A_434, %gather3A_609 : vector<16xf32>
        %add3A_668 = arith.addf %gather3A_618, %mul3A_667 : vector<16xf32>
        %mul3A_669 = arith.mulf %mul3A_440, %gather3A_612 : vector<16xf32>
        %add3A_670 = arith.addf %add3A_668, %mul3A_669 : vector<16xf32>
        %mul3A_671 = arith.mulf %mul3A_446, %gather3A_615 : vector<16xf32>
        %add3A_672 = arith.addf %add3A_670, %mul3A_671 : vector<16xf32>
        %min3A_673 = arith.minimumf %scan3A_604, %add3A_672 : vector<16xf32>
        %add3A_674 = arith.addf %add3A_672, %get3A_449 : vector<16xf32>
        %mul3A_675 = arith.mulf %mul3A_457, %gather3A_609 : vector<16xf32>
        %add3A_676 = arith.addf %gather3A_618, %mul3A_675 : vector<16xf32>
        %mul3A_677 = arith.mulf %mul3A_463, %gather3A_612 : vector<16xf32>
        %add3A_678 = arith.addf %add3A_676, %mul3A_677 : vector<16xf32>
        %mul3A_679 = arith.mulf %mul3A_469, %gather3A_615 : vector<16xf32>
        %add3A_680 = arith.addf %add3A_678, %mul3A_679 : vector<16xf32>
        %min3A_681 = arith.minimumf %scan3A_605, %add3A_680 : vector<16xf32>
        %add3A_682 = arith.addf %add3A_680, %get3A_472 : vector<16xf32>
        %min3A_683 = arith.minimumf %add3A_626, %add3A_634 : vector<16xf32>
        %min3A_684 = arith.minimumf %add3A_642, %add3A_650 : vector<16xf32>
        %min3A_685 = arith.minimumf %add3A_658, %add3A_666 : vector<16xf32>
        %min3A_686 = arith.minimumf %add3A_674, %add3A_682 : vector<16xf32>
        %min3A_687 = arith.minimumf %min3A_683, %min3A_684 : vector<16xf32>
        %min3A_688 = arith.minimumf %min3A_685, %min3A_686 : vector<16xf32>
        %min3A_689 = arith.minimumf %min3A_687, %min3A_688 : vector<16xf32>
        %xor3A = arith.constant 8 : i32
        %xor3A_690 = vector.broadcast %xor3A : i32 to vector<16xi32>
        %xor3A_691 = arith.xori %iota3A, %xor3A_690 : vector<16xi32>
        %broadcast_in_dim3A_692 = vector.shape_cast %xor3A_691 : vector<16xi32> to vector<16x1xi32>
        %gather3A_693 = vector.shape_cast %broadcast_in_dim3A_692 : vector<16x1xi32> to vector<16xi32>
        %gather3A_694 = tpu.dynamic_gather %min3A_689[%gather3A_693] in [0] : vector<16xf32>, vector<16xi32> -> vector<16xf32>
        %min3A_695 = arith.minimumf %min3A_689, %gather3A_694 : vector<16xf32>
        %xor3A_696 = arith.constant 4 : i32
        %xor3A_697 = vector.broadcast %xor3A_696 : i32 to vector<16xi32>
        %xor3A_698 = arith.xori %iota3A, %xor3A_697 : vector<16xi32>
        %broadcast_in_dim3A_699 = vector.shape_cast %xor3A_698 : vector<16xi32> to vector<16x1xi32>
        %gather3A_700 = vector.shape_cast %broadcast_in_dim3A_699 : vector<16x1xi32> to vector<16xi32>
        %gather3A_701 = tpu.dynamic_gather %min3A_695[%gather3A_700] in [0] : vector<16xf32>, vector<16xi32> -> vector<16xf32>
        %min3A_702 = arith.minimumf %min3A_695, %gather3A_701 : vector<16xf32>
        %xor3A_703 = arith.constant 2 : i32
        %xor3A_704 = vector.broadcast %xor3A_703 : i32 to vector<16xi32>
        %xor3A_705 = arith.xori %iota3A, %xor3A_704 : vector<16xi32>
        %broadcast_in_dim3A_706 = vector.shape_cast %xor3A_705 : vector<16xi32> to vector<16x1xi32>
        %gather3A_707 = vector.shape_cast %broadcast_in_dim3A_706 : vector<16x1xi32> to vector<16xi32>
        %gather3A_708 = tpu.dynamic_gather %min3A_702[%gather3A_707] in [0] : vector<16xf32>, vector<16xi32> -> vector<16xf32>
        %min3A_709 = arith.minimumf %min3A_702, %gather3A_708 : vector<16xf32>
        %xor3A_710 = arith.constant 1 : i32
        %xor3A_711 = vector.broadcast %xor3A_710 : i32 to vector<16xi32>
        %xor3A_712 = arith.xori %iota3A, %xor3A_711 : vector<16xi32>
        %broadcast_in_dim3A_713 = vector.shape_cast %xor3A_712 : vector<16xi32> to vector<16x1xi32>
        %gather3A_714 = vector.shape_cast %broadcast_in_dim3A_713 : vector<16x1xi32> to vector<16xi32>
        %gather3A_715 = tpu.dynamic_gather %min3A_709[%gather3A_714] in [0] : vector<16xf32>, vector<16xi32> -> vector<16xf32>
        %min3A_716 = arith.minimumf %min3A_709, %gather3A_715 : vector<16xf32>
        %eq3A = arith.cmpi eq, %iota3A, %broadcast_in_dim3A_607 : vector<16xi32>
        %jit3A = arith.constant 0x7F800000 : f32
        %broadcast_in_dim3A_717 = vector.broadcast %jit3A : f32 to vector<16xf32>
        %select_n3A = arith.select %eq3A, %min3A_716, %broadcast_in_dim3A_717 : vector<16xi1>, vector<16xf32>
        %min3A_718 = arith.minimumf %scan3A_606, %select_n3A : vector<16xf32>
        %scan3A_719 = arith.constant 1 : i32
        %scan3A_720 = arith.addi %scan3A_597, %scan3A_719 : i32
        %broadcast_in_dim3A_721 = vector.broadcast %scan3A_720 : i32 to vector<16xi32>
        %broadcast_in_dim3A_722 = vector.shape_cast %broadcast_in_dim3A_721 : vector<16xi32> to vector<16x1xi32>
        %gather3A_723 = vector.shape_cast %broadcast_in_dim3A_722 : vector<16x1xi32> to vector<16xi32>
        %gather3A_724 = tpu.dynamic_gather %get3A_574[%gather3A_723] in [0] : vector<16xf32>, vector<16xi32> -> vector<16xf32>
        %broadcast_in_dim3A_725 = vector.shape_cast %broadcast_in_dim3A_721 : vector<16xi32> to vector<16x1xi32>
        %gather3A_726 = vector.shape_cast %broadcast_in_dim3A_725 : vector<16x1xi32> to vector<16xi32>
        %gather3A_727 = tpu.dynamic_gather %get3A_577[%gather3A_726] in [0] : vector<16xf32>, vector<16xi32> -> vector<16xf32>
        %broadcast_in_dim3A_728 = vector.shape_cast %broadcast_in_dim3A_721 : vector<16xi32> to vector<16x1xi32>
        %gather3A_729 = vector.shape_cast %broadcast_in_dim3A_728 : vector<16x1xi32> to vector<16xi32>
        %gather3A_730 = tpu.dynamic_gather %get3A_580[%gather3A_729] in [0] : vector<16xf32>, vector<16xi32> -> vector<16xf32>
        %broadcast_in_dim3A_731 = vector.shape_cast %broadcast_in_dim3A_721 : vector<16xi32> to vector<16x1xi32>
        %gather3A_732 = vector.shape_cast %broadcast_in_dim3A_731 : vector<16x1xi32> to vector<16xi32>
        %gather3A_733 = tpu.dynamic_gather %get3A_583[%gather3A_732] in [0] : vector<16xf32>, vector<16xi32> -> vector<16xf32>
        %mul3A_734 = arith.mulf %mul3A_296, %gather3A_724 : vector<16xf32>
        %add3A_735 = arith.addf %gather3A_733, %mul3A_734 : vector<16xf32>
        %mul3A_736 = arith.mulf %mul3A_302, %gather3A_727 : vector<16xf32>
        %add3A_737 = arith.addf %add3A_735, %mul3A_736 : vector<16xf32>
        %mul3A_738 = arith.mulf %mul3A_308, %gather3A_730 : vector<16xf32>
        %add3A_739 = arith.addf %add3A_737, %mul3A_738 : vector<16xf32>
        %min3A_740 = arith.minimumf %min3A_625, %add3A_739 : vector<16xf32>
        %add3A_741 = arith.addf %add3A_739, %get3A_311 : vector<16xf32>
        %mul3A_742 = arith.mulf %mul3A_319, %gather3A_724 : vector<16xf32>
        %add3A_743 = arith.addf %gather3A_733, %mul3A_742 : vector<16xf32>
        %mul3A_744 = arith.mulf %mul3A_325, %gather3A_727 : vector<16xf32>
        %add3A_745 = arith.addf %add3A_743, %mul3A_744 : vector<16xf32>
        %mul3A_746 = arith.mulf %mul3A_331, %gather3A_730 : vector<16xf32>
        %add3A_747 = arith.addf %add3A_745, %mul3A_746 : vector<16xf32>
        %min3A_748 = arith.minimumf %min3A_633, %add3A_747 : vector<16xf32>
        %add3A_749 = arith.addf %add3A_747, %get3A_334 : vector<16xf32>
        %mul3A_750 = arith.mulf %mul3A_342, %gather3A_724 : vector<16xf32>
        %add3A_751 = arith.addf %gather3A_733, %mul3A_750 : vector<16xf32>
        %mul3A_752 = arith.mulf %mul3A_348, %gather3A_727 : vector<16xf32>
        %add3A_753 = arith.addf %add3A_751, %mul3A_752 : vector<16xf32>
        %mul3A_754 = arith.mulf %mul3A_354, %gather3A_730 : vector<16xf32>
        %add3A_755 = arith.addf %add3A_753, %mul3A_754 : vector<16xf32>
        %min3A_756 = arith.minimumf %min3A_641, %add3A_755 : vector<16xf32>
        %add3A_757 = arith.addf %add3A_755, %get3A_357 : vector<16xf32>
        %mul3A_758 = arith.mulf %mul3A_365, %gather3A_724 : vector<16xf32>
        %add3A_759 = arith.addf %gather3A_733, %mul3A_758 : vector<16xf32>
        %mul3A_760 = arith.mulf %mul3A_371, %gather3A_727 : vector<16xf32>
        %add3A_761 = arith.addf %add3A_759, %mul3A_760 : vector<16xf32>
        %mul3A_762 = arith.mulf %mul3A_377, %gather3A_730 : vector<16xf32>
        %add3A_763 = arith.addf %add3A_761, %mul3A_762 : vector<16xf32>
        %min3A_764 = arith.minimumf %min3A_649, %add3A_763 : vector<16xf32>
        %add3A_765 = arith.addf %add3A_763, %get3A_380 : vector<16xf32>
        %mul3A_766 = arith.mulf %mul3A_388, %gather3A_724 : vector<16xf32>
        %add3A_767 = arith.addf %gather3A_733, %mul3A_766 : vector<16xf32>
        %mul3A_768 = arith.mulf %mul3A_394, %gather3A_727 : vector<16xf32>
        %add3A_769 = arith.addf %add3A_767, %mul3A_768 : vector<16xf32>
        %mul3A_770 = arith.mulf %mul3A_400, %gather3A_730 : vector<16xf32>
        %add3A_771 = arith.addf %add3A_769, %mul3A_770 : vector<16xf32>
        %min3A_772 = arith.minimumf %min3A_657, %add3A_771 : vector<16xf32>
        %add3A_773 = arith.addf %add3A_771, %get3A_403 : vector<16xf32>
        %mul3A_774 = arith.mulf %mul3A_411, %gather3A_724 : vector<16xf32>
        %add3A_775 = arith.addf %gather3A_733, %mul3A_774 : vector<16xf32>
        %mul3A_776 = arith.mulf %mul3A_417, %gather3A_727 : vector<16xf32>
        %add3A_777 = arith.addf %add3A_775, %mul3A_776 : vector<16xf32>
        %mul3A_778 = arith.mulf %mul3A_423, %gather3A_730 : vector<16xf32>
        %add3A_779 = arith.addf %add3A_777, %mul3A_778 : vector<16xf32>
        %min3A_780 = arith.minimumf %min3A_665, %add3A_779 : vector<16xf32>
        %add3A_781 = arith.addf %add3A_779, %get3A_426 : vector<16xf32>
        %mul3A_782 = arith.mulf %mul3A_434, %gather3A_724 : vector<16xf32>
        %add3A_783 = arith.addf %gather3A_733, %mul3A_782 : vector<16xf32>
        %mul3A_784 = arith.mulf %mul3A_440, %gather3A_727 : vector<16xf32>
        %add3A_785 = arith.addf %add3A_783, %mul3A_784 : vector<16xf32>
        %mul3A_786 = arith.mulf %mul3A_446, %gather3A_730 : vector<16xf32>
        %add3A_787 = arith.addf %add3A_785, %mul3A_786 : vector<16xf32>
        %min3A_788 = arith.minimumf %min3A_673, %add3A_787 : vector<16xf32>
        %add3A_789 = arith.addf %add3A_787, %get3A_449 : vector<16xf32>
        %mul3A_790 = arith.mulf %mul3A_457, %gather3A_724 : vector<16xf32>
        %add3A_791 = arith.addf %gather3A_733, %mul3A_790 : vector<16xf32>
        %mul3A_792 = arith.mulf %mul3A_463, %gather3A_727 : vector<16xf32>
        %add3A_793 = arith.addf %add3A_791, %mul3A_792 : vector<16xf32>
        %mul3A_794 = arith.mulf %mul3A_469, %gather3A_730 : vector<16xf32>
        %add3A_795 = arith.addf %add3A_793, %mul3A_794 : vector<16xf32>
        %min3A_796 = arith.minimumf %min3A_681, %add3A_795 : vector<16xf32>
        %add3A_797 = arith.addf %add3A_795, %get3A_472 : vector<16xf32>
        %min3A_798 = arith.minimumf %add3A_741, %add3A_749 : vector<16xf32>
        %min3A_799 = arith.minimumf %add3A_757, %add3A_765 : vector<16xf32>
        %min3A_800 = arith.minimumf %add3A_773, %add3A_781 : vector<16xf32>
        %min3A_801 = arith.minimumf %add3A_789, %add3A_797 : vector<16xf32>
        %min3A_802 = arith.minimumf %min3A_798, %min3A_799 : vector<16xf32>
        %min3A_803 = arith.minimumf %min3A_800, %min3A_801 : vector<16xf32>
        %min3A_804 = arith.minimumf %min3A_802, %min3A_803 : vector<16xf32>
        %xor3A_805 = arith.constant 8 : i32
        %xor3A_806 = vector.broadcast %xor3A_805 : i32 to vector<16xi32>
        %xor3A_807 = arith.xori %iota3A, %xor3A_806 : vector<16xi32>
        %broadcast_in_dim3A_808 = vector.shape_cast %xor3A_807 : vector<16xi32> to vector<16x1xi32>
        %gather3A_809 = vector.shape_cast %broadcast_in_dim3A_808 : vector<16x1xi32> to vector<16xi32>
        %gather3A_810 = tpu.dynamic_gather %min3A_804[%gather3A_809] in [0] : vector<16xf32>, vector<16xi32> -> vector<16xf32>
        %min3A_811 = arith.minimumf %min3A_804, %gather3A_810 : vector<16xf32>
        %xor3A_812 = arith.constant 4 : i32
        %xor3A_813 = vector.broadcast %xor3A_812 : i32 to vector<16xi32>
        %xor3A_814 = arith.xori %iota3A, %xor3A_813 : vector<16xi32>
        %broadcast_in_dim3A_815 = vector.shape_cast %xor3A_814 : vector<16xi32> to vector<16x1xi32>
        %gather3A_816 = vector.shape_cast %broadcast_in_dim3A_815 : vector<16x1xi32> to vector<16xi32>
        %gather3A_817 = tpu.dynamic_gather %min3A_811[%gather3A_816] in [0] : vector<16xf32>, vector<16xi32> -> vector<16xf32>
        %min3A_818 = arith.minimumf %min3A_811, %gather3A_817 : vector<16xf32>
        %xor3A_819 = arith.constant 2 : i32
        %xor3A_820 = vector.broadcast %xor3A_819 : i32 to vector<16xi32>
        %xor3A_821 = arith.xori %iota3A, %xor3A_820 : vector<16xi32>
        %broadcast_in_dim3A_822 = vector.shape_cast %xor3A_821 : vector<16xi32> to vector<16x1xi32>
        %gather3A_823 = vector.shape_cast %broadcast_in_dim3A_822 : vector<16x1xi32> to vector<16xi32>
        %gather3A_824 = tpu.dynamic_gather %min3A_818[%gather3A_823] in [0] : vector<16xf32>, vector<16xi32> -> vector<16xf32>
        %min3A_825 = arith.minimumf %min3A_818, %gather3A_824 : vector<16xf32>
        %xor3A_826 = arith.constant 1 : i32
        %xor3A_827 = vector.broadcast %xor3A_826 : i32 to vector<16xi32>
        %xor3A_828 = arith.xori %iota3A, %xor3A_827 : vector<16xi32>
        %broadcast_in_dim3A_829 = vector.shape_cast %xor3A_828 : vector<16xi32> to vector<16x1xi32>
        %gather3A_830 = vector.shape_cast %broadcast_in_dim3A_829 : vector<16x1xi32> to vector<16xi32>
        %gather3A_831 = tpu.dynamic_gather %min3A_825[%gather3A_830] in [0] : vector<16xf32>, vector<16xi32> -> vector<16xf32>
        %min3A_832 = arith.minimumf %min3A_825, %gather3A_831 : vector<16xf32>
        %eq3A_833 = arith.cmpi eq, %iota3A, %broadcast_in_dim3A_721 : vector<16xi32>
        %jit3A_834 = arith.constant 0x7F800000 : f32
        %broadcast_in_dim3A_835 = vector.broadcast %jit3A_834 : f32 to vector<16xf32>
        %select_n3A_836 = arith.select %eq3A_833, %min3A_832, %broadcast_in_dim3A_835 : vector<16xi1>, vector<16xf32>
        %min3A_837 = arith.minimumf %min3A_718, %select_n3A_836 : vector<16xf32>
        scf.yield %min3A_740, %min3A_748, %min3A_756, %min3A_764, %min3A_772, %min3A_780, %min3A_788, %min3A_796, %min3A_837 : vector<16xf32>, vector<16xf32>, vector<16xf32>, vector<16xf32>, vector<16xf32>, vector<16xf32>, vector<16xf32>, vector<16xf32>, vector<16xf32>
      }
      %scan3A_589 = arith.constant 16 : i32
      %get3A_590 = arith.index_cast %mul3A_571 : i32 to index
      %get3A_591 = tpu.vector_load %arg18[%get3A_590] {strides = array<i32>} : memref<8192xf32, #tpu.memory_space<vmem>>, vector<16xf32>,
      %get3A_592 = vector.shape_cast %get3A_591 : vector<16xf32> to vector<16xf32>
      %min3A = arith.minimumf %get3A_592, %scan3A_588#8 : vector<16xf32>
      %swap3A_593 = arith.index_cast %mul3A_571 : i32 to index
      %swap3A_594 = tpu.vector_load %arg18[%swap3A_593] {strides = array<i32>} : memref<8192xf32, #tpu.memory_space<vmem>>, vector<16xf32>,
      %swap3A_595 = vector.shape_cast %swap3A_594 : vector<16xf32> to vector<16xf32>
      %swap3A_596 = vector.shape_cast %min3A : vector<16xf32> to vector<16xf32>
      tpu.vector_store %arg18[%swap3A_593], %swap3A_596 {strides = array<i32>} : memref<8192xf32, #tpu.memory_space<vmem>>, vector<16xf32>,
      scf.yield %scan3A_588#0, %scan3A_588#1, %scan3A_588#2, %scan3A_588#3, %scan3A_588#4, %scan3A_588#5, %scan3A_588#6, %scan3A_588#7 : vector<16xf32>, vector<16xf32>, vector<16xf32>, vector<16xf32>, vector<16xf32>, vector<16xf32>, vector<16xf32>, vector<16xf32>
    }
    %scan3A_478 = arith.constant 512 : i32
    %add3A_479 = arith.constant 128 : i32
    %add3A_480 = arith.addi %mul3A_2, %add3A_479 : i32
    %get3A_481 = arith.index_cast %add3A_480 : i32 to index
    %get3A_482 = tpu.vector_load %arg16[%get3A_481] {strides = array<i32>} : memref<8192xf32, #tpu.memory_space<vmem>>, vector<16xf32>,
    %get3A_483 = vector.shape_cast %get3A_482 : vector<16xf32> to vector<16xf32>
    %add3A_484 = arith.addf %get3A_483, %scan3A_477#0 : vector<16xf32>
    %swap3A_485 = arith.constant 128 : index
    %swap3A_486 = tpu.vector_load %arg19[%swap3A_485] {strides = array<i32>} : memref<256xf32, #tpu.memory_space<vmem>>, vector<16xf32>,
    %swap3A_487 = vector.shape_cast %swap3A_486 : vector<16xf32> to vector<16xf32>
    %swap3A_488 = vector.shape_cast %add3A_484 : vector<16xf32> to vector<16xf32>
    tpu.vector_store %arg19[%swap3A_485], %swap3A_488 {strides = array<i32>} : memref<256xf32, #tpu.memory_space<vmem>>, vector<16xf32>,
    %add3A_489 = arith.constant 144 : i32
    %add3A_490 = arith.addi %mul3A_2, %add3A_489 : i32
    %get3A_491 = arith.index_cast %add3A_490 : i32 to index
    %get3A_492 = tpu.vector_load %arg16[%get3A_491] {strides = array<i32>} : memref<8192xf32, #tpu.memory_space<vmem>>, vector<16xf32>,
    %get3A_493 = vector.shape_cast %get3A_492 : vector<16xf32> to vector<16xf32>
    %add3A_494 = arith.addf %get3A_493, %scan3A_477#1 : vector<16xf32>
    %swap3A_495 = arith.constant 144 : index
    %swap3A_496 = tpu.vector_load %arg19[%swap3A_495] {strides = array<i32>} : memref<256xf32, #tpu.memory_space<vmem>>, vector<16xf32>,
    %swap3A_497 = vector.shape_cast %swap3A_496 : vector<16xf32> to vector<16xf32>
    %swap3A_498 = vector.shape_cast %add3A_494 : vector<16xf32> to vector<16xf32>
    tpu.vector_store %arg19[%swap3A_495], %swap3A_498 {strides = array<i32>} : memref<256xf32, #tpu.memory_space<vmem>>, vector<16xf32>,
    %add3A_499 = arith.constant 160 : i32
    %add3A_500 = arith.addi %mul3A_2, %add3A_499 : i32
    %get3A_501 = arith.index_cast %add3A_500 : i32 to index
    %get3A_502 = tpu.vector_load %arg16[%get3A_501] {strides = array<i32>} : memref<8192xf32, #tpu.memory_space<vmem>>, vector<16xf32>,
    %get3A_503 = vector.shape_cast %get3A_502 : vector<16xf32> to vector<16xf32>
    %add3A_504 = arith.addf %get3A_503, %scan3A_477#2 : vector<16xf32>
    %swap3A_505 = arith.constant 160 : index
    %swap3A_506 = tpu.vector_load %arg19[%swap3A_505] {strides = array<i32>} : memref<256xf32, #tpu.memory_space<vmem>>, vector<16xf32>,
    %swap3A_507 = vector.shape_cast %swap3A_506 : vector<16xf32> to vector<16xf32>
    %swap3A_508 = vector.shape_cast %add3A_504 : vector<16xf32> to vector<16xf32>
    tpu.vector_store %arg19[%swap3A_505], %swap3A_508 {strides = array<i32>} : memref<256xf32, #tpu.memory_space<vmem>>, vector<16xf32>,
    %add3A_509 = arith.constant 176 : i32
    %add3A_510 = arith.addi %mul3A_2, %add3A_509 : i32
    %get3A_511 = arith.index_cast %add3A_510 : i32 to index
    %get3A_512 = tpu.vector_load %arg16[%get3A_511] {strides = array<i32>} : memref<8192xf32, #tpu.memory_space<vmem>>, vector<16xf32>,
    %get3A_513 = vector.shape_cast %get3A_512 : vector<16xf32> to vector<16xf32>
    %add3A_514 = arith.addf %get3A_513, %scan3A_477#3 : vector<16xf32>
    %swap3A_515 = arith.constant 176 : index
    %swap3A_516 = tpu.vector_load %arg19[%swap3A_515] {strides = array<i32>} : memref<256xf32, #tpu.memory_space<vmem>>, vector<16xf32>,
    %swap3A_517 = vector.shape_cast %swap3A_516 : vector<16xf32> to vector<16xf32>
    %swap3A_518 = vector.shape_cast %add3A_514 : vector<16xf32> to vector<16xf32>
    tpu.vector_store %arg19[%swap3A_515], %swap3A_518 {strides = array<i32>} : memref<256xf32, #tpu.memory_space<vmem>>, vector<16xf32>,
    %add3A_519 = arith.constant 192 : i32
    %add3A_520 = arith.addi %mul3A_2, %add3A_519 : i32
    %get3A_521 = arith.index_cast %add3A_520 : i32 to index
    %get3A_522 = tpu.vector_load %arg16[%get3A_521] {strides = array<i32>} : memref<8192xf32, #tpu.memory_space<vmem>>, vector<16xf32>,
    %get3A_523 = vector.shape_cast %get3A_522 : vector<16xf32> to vector<16xf32>
    %add3A_524 = arith.addf %get3A_523, %scan3A_477#4 : vector<16xf32>
    %swap3A_525 = arith.constant 192 : index
    %swap3A_526 = tpu.vector_load %arg19[%swap3A_525] {strides = array<i32>} : memref<256xf32, #tpu.memory_space<vmem>>, vector<16xf32>,
    %swap3A_527 = vector.shape_cast %swap3A_526 : vector<16xf32> to vector<16xf32>
    %swap3A_528 = vector.shape_cast %add3A_524 : vector<16xf32> to vector<16xf32>
    tpu.vector_store %arg19[%swap3A_525], %swap3A_528 {strides = array<i32>} : memref<256xf32, #tpu.memory_space<vmem>>, vector<16xf32>,
    %add3A_529 = arith.constant 208 : i32
    %add3A_530 = arith.addi %mul3A_2, %add3A_529 : i32
    %get3A_531 = arith.index_cast %add3A_530 : i32 to index
    %get3A_532 = tpu.vector_load %arg16[%get3A_531] {strides = array<i32>} : memref<8192xf32, #tpu.memory_space<vmem>>, vector<16xf32>,
    %get3A_533 = vector.shape_cast %get3A_532 : vector<16xf32> to vector<16xf32>
    %add3A_534 = arith.addf %get3A_533, %scan3A_477#5 : vector<16xf32>
    %swap3A_535 = arith.constant 208 : index
    %swap3A_536 = tpu.vector_load %arg19[%swap3A_535] {strides = array<i32>} : memref<256xf32, #tpu.memory_space<vmem>>, vector<16xf32>,
    %swap3A_537 = vector.shape_cast %swap3A_536 : vector<16xf32> to vector<16xf32>
    %swap3A_538 = vector.shape_cast %add3A_534 : vector<16xf32> to vector<16xf32>
    tpu.vector_store %arg19[%swap3A_535], %swap3A_538 {strides = array<i32>} : memref<256xf32, #tpu.memory_space<vmem>>, vector<16xf32>,
    %add3A_539 = arith.constant 224 : i32
    %add3A_540 = arith.addi %mul3A_2, %add3A_539 : i32
    %get3A_541 = arith.index_cast %add3A_540 : i32 to index
    %get3A_542 = tpu.vector_load %arg16[%get3A_541] {strides = array<i32>} : memref<8192xf32, #tpu.memory_space<vmem>>, vector<16xf32>,
    %get3A_543 = vector.shape_cast %get3A_542 : vector<16xf32> to vector<16xf32>
    %add3A_544 = arith.addf %get3A_543, %scan3A_477#6 : vector<16xf32>
    %swap3A_545 = arith.constant 224 : index
    %swap3A_546 = tpu.vector_load %arg19[%swap3A_545] {strides = array<i32>} : memref<256xf32, #tpu.memory_space<vmem>>, vector<16xf32>,
    %swap3A_547 = vector.shape_cast %swap3A_546 : vector<16xf32> to vector<16xf32>
    %swap3A_548 = vector.shape_cast %add3A_544 : vector<16xf32> to vector<16xf32>
    tpu.vector_store %arg19[%swap3A_545], %swap3A_548 {strides = array<i32>} : memref<256xf32, #tpu.memory_space<vmem>>, vector<16xf32>,
    %add3A_549 = arith.constant 240 : i32
    %add3A_550 = arith.addi %mul3A_2, %add3A_549 : i32
    %get3A_551 = arith.index_cast %add3A_550 : i32 to index
    %get3A_552 = tpu.vector_load %arg16[%get3A_551] {strides = array<i32>} : memref<8192xf32, #tpu.memory_space<vmem>>, vector<16xf32>,
    %get3A_553 = vector.shape_cast %get3A_552 : vector<16xf32> to vector<16xf32>
    %add3A_554 = arith.addf %get3A_553, %scan3A_477#7 : vector<16xf32>
    %swap3A_555 = arith.constant 240 : index
    %swap3A_556 = tpu.vector_load %arg19[%swap3A_555] {strides = array<i32>} : memref<256xf32, #tpu.memory_space<vmem>>, vector<16xf32>,
    %swap3A_557 = vector.shape_cast %swap3A_556 : vector<16xf32> to vector<16xf32>
    %swap3A_558 = vector.shape_cast %add3A_554 : vector<16xf32> to vector<16xf32>
    tpu.vector_store %arg19[%swap3A_555], %swap3A_558 {strides = array<i32>} : memref<256xf32, #tpu.memory_space<vmem>>, vector<16xf32>,
    "tpu.region"() ({
      %run_scoped3A = tpu.sem_alloc : memref<!tpu.dma_semaphore, #tpu.memory_space<semaphore_mem>>
      %dma_start3A = tpu.memref_slice %arg8[%mul3A_2] : memref<8192xf32, #tpu.memory_space<hbm>> -> memref<256xf32, #tpu.memory_space<hbm>>
      %dma_start3A_561 = tpu.memref_slice %arg8[%mul3A_2] : memref<8192xf32, #tpu.memory_space<hbm>> -> memref<256xf32, #tpu.memory_space<hbm>>
      tpu.enqueue_dma source(%arg19 : memref<256xf32, #tpu.memory_space<vmem>>) target(%dma_start3A_561 : memref<256xf32, #tpu.memory_space<hbm>>) target_semaphore(%run_scoped3A : memref<!tpu.dma_semaphore, #tpu.memory_space<semaphore_mem>>)
      %dma_wait3A = tpu.memref_slice %arg8[%mul3A_2] : memref<8192xf32, #tpu.memory_space<hbm>> -> memref<256xf32, #tpu.memory_space<hbm>>
      %dma_wait3A_562 = tpu.memref_slice %arg8[%mul3A_2] : memref<8192xf32, #tpu.memory_space<hbm>> -> memref<256xf32, #tpu.memory_space<hbm>>
      tpu.wait_dma2 semaphore(%run_scoped3A : memref<!tpu.dma_semaphore, #tpu.memory_space<semaphore_mem>>) src(%arg19 : memref<256xf32, #tpu.memory_space<vmem>>) dst(%dma_wait3A_562 : memref<256xf32, #tpu.memory_space<hbm>>)
      tpu.yield
    }) : () -> ()
    %mul3A_559 = arith.constant 8192 : i32
    %mul3A_560 = arith.muli %add3A, %mul3A_559 : i32
    "tpu.region"() ({
      %run_scoped3A = tpu.sem_alloc : memref<!tpu.dma_semaphore, #tpu.memory_space<semaphore_mem>>
      %dma_start3A = tpu.memref_slice %arg9[%mul3A_560] : memref<262144xf32, #tpu.memory_space<hbm>> -> memref<8192xf32, #tpu.memory_space<hbm>>
      %dma_start3A_561 = tpu.memref_slice %arg9[%mul3A_560] : memref<262144xf32, #tpu.memory_space<hbm>> -> memref<8192xf32, #tpu.memory_space<hbm>>
      tpu.enqueue_dma source(%arg18 : memref<8192xf32, #tpu.memory_space<vmem>>) target(%dma_start3A_561 : memref<8192xf32, #tpu.memory_space<hbm>>) target_semaphore(%run_scoped3A : memref<!tpu.dma_semaphore, #tpu.memory_space<semaphore_mem>>)
      %dma_wait3A = tpu.memref_slice %arg9[%mul3A_560] : memref<262144xf32, #tpu.memory_space<hbm>> -> memref<8192xf32, #tpu.memory_space<hbm>>
      %dma_wait3A_562 = tpu.memref_slice %arg9[%mul3A_560] : memref<262144xf32, #tpu.memory_space<hbm>> -> memref<8192xf32, #tpu.memory_space<hbm>>
      tpu.wait_dma2 semaphore(%run_scoped3A : memref<!tpu.dma_semaphore, #tpu.memory_space<semaphore_mem>>) src(%arg18 : memref<8192xf32, #tpu.memory_space<vmem>>) dst(%dma_wait3A_562 : memref<8192xf32, #tpu.memory_space<hbm>>)
      tpu.yield
    }) : () -> ()
    return
  }
}

module attributes {stable_mosaic.version = 14 : i64} {
  func.func @_finish_body(%arg0: memref<64x128xf32, #tpu.memory_space<vmem>>, %arg1: memref<32x8192xf32, #tpu.memory_space<vmem>>, %arg2: memref<1x1xf32, #tpu.memory_space<vmem>>) attributes {dimension_semantics = [], scalar_prefetch = 0 : i64, scratch_operands = 0 : i64, tpu.core_type = #tpu.core_type<tc>} {
    %get3A = arith.constant 0 : index
    %get3A_0 = arith.constant 0 : index
    %get3A_1 = vector.load %arg0[%get3A, %get3A_0] : memref<64x128xf32, #tpu.memory_space<vmem>>, vector<64x128xf32>
    %get3A_2 = arith.constant 0 : index
    %get3A_3 = arith.constant 0 : index
    %get3A_4 = vector.load %arg1[%get3A_2, %get3A_3] : memref<32x8192xf32, #tpu.memory_space<vmem>>, vector<32x8192xf32>
    %reduce_min3A = arith.constant dense<0x7F800000> : vector<8192xf32>
    %reduce_min3A_5 = vector.multi_reduction <minimumf>, %get3A_4, %reduce_min3A [0] : vector<32x8192xf32> to vector<8192xf32>
    %broadcast_in_dim3A = vector.shape_cast %reduce_min3A_5 : vector<8192xf32> to vector<1x8192xf32>
    %max3A = arith.constant 9.99999996E-13 : f32
    %max3A_6 = vector.broadcast %max3A : f32 to vector<64x128xf32>
    %max3A_7 = arith.maximumf %get3A_1, %max3A_6 : vector<64x128xf32>
    %sqrt3A = math.sqrt %max3A_7 : vector<64x128xf32>
    %reduce_sum3A = vector.shape_cast %sqrt3A : vector<64x128xf32> to vector<1x64x128xf32>
    %reduce_sum3A_8 = arith.constant dense<0.000000e+00> : vector<1xf32>
    %reduce_sum3A_9 = vector.multi_reduction <add>, %reduce_sum3A, %reduce_sum3A_8 [1, 2] : vector<1x64x128xf32> to vector<1xf32>
    %reduce_sum3A_10 = vector.shape_cast %reduce_sum3A_9 : vector<1xf32> to vector<1x1x1xf32>
    %reduce_sum3A_11 = vector.extract %reduce_sum3A_10[0, 0, 0] : f32 from vector<1x1x1xf32>
    %max3A_12 = arith.constant 9.99999996E-13 : f32
    %max3A_13 = vector.broadcast %max3A_12 : f32 to vector<1x8192xf32>
    %max3A_14 = arith.maximumf %broadcast_in_dim3A, %max3A_13 : vector<1x8192xf32>
    %sqrt3A_15 = math.sqrt %max3A_14 : vector<1x8192xf32>
    %reduce_sum3A_16 = vector.shape_cast %sqrt3A_15 : vector<1x8192xf32> to vector<1x1x8192xf32>
    %reduce_sum3A_17 = arith.constant dense<0.000000e+00> : vector<1xf32>
    %reduce_sum3A_18 = vector.multi_reduction <add>, %reduce_sum3A_16, %reduce_sum3A_17 [1, 2] : vector<1x1x8192xf32> to vector<1xf32>
    %reduce_sum3A_19 = vector.shape_cast %reduce_sum3A_18 : vector<1xf32> to vector<1x1x1xf32>
    %reduce_sum3A_20 = vector.extract %reduce_sum3A_19[0, 0, 0] : f32 from vector<1x1x1xf32>
    %add3A = arith.addf %reduce_sum3A_11, %reduce_sum3A_20 : f32
    %mul3A = arith.constant 1.22070313E-4 : f32
    %mul3A_21 = arith.mulf %add3A, %mul3A : f32
    %broadcast_in_dim3A_22 = vector.broadcast %mul3A_21 : f32 to vector<1x1xf32>
    %swap3A = arith.constant 0 : index
    %swap3A_23 = arith.constant 0 : index
    %swap3A_24 = vector.load %arg2[%swap3A, %swap3A_23] : memref<1x1xf32, #tpu.memory_space<vmem>>, vector<1x1xf32>
    tpu.vector_store %arg2[%swap3A, %swap3A_23], %broadcast_in_dim3A_22 {strides = array<i32>} : memref<1x1xf32, #tpu.memory_space<vmem>>, vector<1x1xf32>,
    return
  }
}

</mosaic_0001>

<sc_bundles>
// kernel: kernel.4.cloned.1.call-start
scs
__scs_entry_jumppad:
0x0: {  	(pc) =	sbr.rel $0x88, $3  }
0x1: {  	(tag) =	ssettag $0x0;
	lr =	simm.s32 $0x1  }
0x2: {  	[smem:$0x3F9F] =	sst lr;
	_ =	strace $0xD0000000  }
0x3: {  	_ = 	snop  }
0x4: {  	_ = 	snop  }
0x5: {  	_ = 	snop  }
0x6: {  	_ = 	snop  }
0x7: {  	_ = 	snop  }
__scs_overlays_trampoline_lowered:
0x8: {  	[smem:$0x3FAE] =	sst s0  }
0x9: {  	[smem:$0x3FAF] =	sst s1  }
0xa: {  	[smem:$0x3FB0] =	sst s2  }
0xb: {  	[smem:$0x3FB1] =	sst s3  }
0xc: {  	[smem:$0x3FB2] =	sst s4  }
0xd: {  	[smem:$0x3FB3] =	sst s5  }
0xe: {  	[smem:$0x3FB4] =	sst s6  }
0xf: {  	[smem:$0x3FB5] =	sst s7  }
0x10: {  	[smem:$0x3FB6] =	sst s8  }
0x11: {  	[smem:$0x3FB7] =	sst s9;
	s0 =	simm.s32 @!p0 $0x0  }
0x12: {  	s1 =	sld [smem:$0x3F9D];
	s0 =	simm.s32 @p0 $0x1  }
0x13: {  	[smem:$0x3FB8] =	sst s0;
	s0 =	simm.s32 @!p1 $0x0  }
0x14: {  	s2 =	sld [smem:$0x3F9C];
	s0 =	simm.s32 @p1 $0x1  }
0x15: {  	[smem:$0x3FB9] =	sst s0;
	s0 =	simm.s32 @!p2 $0x0  }
0x16: {  	s3 =	sld [smem:$0x3FDB];
	s0 =	simm.s32 @p2 $0x1  }
0x17: {  	s4 =	simm.s32 $0x1BF5;
	[smem:$0x3FBB] =	sst s0  }
0x18: {  	s0 =	sld [smem:$0x3F9E];
	_ =	swait.ge [sflag:s4], $0x0  }
0x19: {  	s7 =	sld [smem:$0x3F9F]  }
0x1a: {  	s8 =	sadd.s32 $0xFFFFE003, lr  }
0x1b: {  	s9 =	sadd.s32 $0xFFFFFEF7, lr;
	s5 =	simm.s32 $0xFFFFFFFF;
	p2 =	slt.u32 s8, $0xFFFFF086  }
0x1c: {  	p1 =	slt.u32 s9, $0xF7A;
	s5 =	simm.s32 @!p2 $0x0  }
0x1d: {  	s5 =	simm.s32 @p1 $0x1;
	p0 =	seq.s32 s7, s2  }
0x1e: {  	s7 =	smul.u32 @!p0 $0xF7A, s2;
	p2 =	seq.s32 @!p0 s5, $0x0  }
0x1f: {  	s9 =	smul.u32 $0xF7A, s1;
	s8 =	simm.s32 @!p0 $0x1BF5;
	p2 =	por !p2, p0  }
0x20: {  	[sflag:s8] =	ssyncset.s32 @!p0 $0xFFFFF086;
	s6 =	sadd.s32 @!p0 s3, s7;
	s7 =	simm.s32 @!p0 $0x108  }
0x21: {  	s3 =	sadd.s32 s3, s9;
	s6 =	sadd.s32 @!p0 $0x88, s6;
	s7 =	simm.s32 @p2 $0x1082  }
0x22: {  	[simem:s7], [sflag:s8] =	dma.local @!p0 [hbm:s6], $0xF7A  }
0x23: {  	s9 =	sor.u32 $0xD0000000, s2;
	s6 =	simm.s32 $0x108;
	_ =	swait.ge @!p0 [sflag:s8], $0x0  }
0x24: {  	s3 =	sadd.s32 $0x88, s3;
	s6 =	simm.s32 @!p1 $0x1082;
	[sflag:s4] =	ssyncset.s32 $0xFFFFF086  }
0x25: {  	[simem:s6], [sflag:s4] =	dma.local [hbm:s3], $0xF7A  }
0x26: {  	[smem:$0x3F9F] =	sst s1;
	(tag) =	ssettag s2;
	_ =	strace s9  }
0x27: {  	s1 =	sld [smem:$0x3FAF]  }
0x28: {  	s2 =	sld [smem:$0x3FB0]  }
0x29: {  	s4 =	sld [smem:$0x3FB2]  }
0x2a: {  	p0 =	seq.s32 s5, $0x0;
	s5 =	sld [smem:$0x3FB3]  }
0x2b: {  	s6 =	sld [smem:$0x3FB4]  }
0x2c: {  	s7 =	sld [smem:$0x3FB5]  }
0x2d: {  	s3 =	simm.s32 $0x108;
	s8 =	sld [smem:$0x3FB6]  }
0x2e: {  	s3 =	simm.s32 @!p0 $0x1082;
	s9 =	sld [smem:$0x3FB7]  }
0x2f: {  	lr =	sadd.s32 s0, s3;
	s0 =	sld [smem:$0x3FAE]  }
0x30: {  	s3 =	sld [smem:$0x3FB1]  }
0x31: {  	[smem:$0x3FBA] =	sst s10  }
0x32: {  	s10 =	sld [smem:$0x3FB8];
	_ =	sdelay $0x3  }
0x33: {  	p0 =	seq.s32 s10, $0x1;
	s10 =	sld [smem:$0x3FBA];
	_ =	sdelay $0x3  }
0x34: {  	[smem:$0x3FBA] =	sst s10  }
0x35: {  	s10 =	sld [smem:$0x3FB9];
	_ =	sdelay $0x3  }
0x36: {  	p1 =	seq.s32 s10, $0x1;
	s10 =	sld [smem:$0x3FBA];
	_ =	sdelay $0x3  }
0x37: {  	[smem:$0x3FBA] =	sst s10  }
0x38: {  	s10 =	sld [smem:$0x3FBB]  }
0x39: {  	_ = 	snop;
	(pc) =	sbr.ind lr, $3  }
0x3a: {  	_ = 	snop  }
0x3b: {  	_ = 	snop  }
0x3c: {  	p2 =	seq.s32 s10, $0x1;
	s10 =	sld [smem:$0x3FBA]  }
0x3d: {  	_ =	shalt  }
0x3e: {  	_ =	shalt  }
0x3f: {  	_ =	shalt  }
0x40: {  	_ =	shalt  }
0x41: {  	_ =	shalt  }
0x42: {  	_ =	shalt  }
0x43: {  	_ =	shalt  }
0x44: {  	_ =	shalt  }
0x45: {  	_ =	shalt  }
0x46: {  	_ =	shalt  }
0x47: {  	_ =	shalt  }
0x48: {  	_ =	shalt  }
0x49: {  	_ =	shalt  }
0x4a: {  	_ =	shalt  }
0x4b: {  	_ =	shalt  }
0x4c: {  	_ =	shalt  }
0x4d: {  	_ =	shalt  }
0x4e: {  	_ =	shalt  }
0x4f: {  	_ =	shalt  }
0x50: {  	_ =	shalt  }
0x51: {  	_ =	shalt  }
0x52: {  	_ =	shalt  }
0x53: {  	_ =	shalt  }
0x54: {  	_ =	shalt  }
0x55: {  	_ =	shalt  }
0x56: {  	_ =	shalt  }
0x57: {  	_ =	shalt  }
0x58: {  	_ =	shalt  }
0x59: {  	_ =	shalt  }
0x5a: {  	_ =	shalt  }
0x5b: {  	_ =	shalt  }
0x5c: {  	_ =	shalt  }
0x5d: {  	_ =	shalt  }
0x5e: {  	_ =	shalt  }
0x5f: {  	_ =	shalt  }
0x60: {  	_ =	shalt  }
0x61: {  	_ =	shalt  }
0x62: {  	_ =	shalt  }
0x63: {  	_ =	shalt  }
0x64: {  	_ =	shalt  }
0x65: {  	_ =	shalt  }
0x66: {  	_ =	shalt  }
0x67: {  	_ =	shalt  }
0x68: {  	_ =	shalt  }
0x69: {  	_ =	shalt  }
0x6a: {  	_ =	shalt  }
0x6b: {  	_ =	shalt  }
0x6c: {  	_ =	shalt  }
0x6d: {  	_ =	shalt  }
0x6e: {  	_ =	shalt  }
0x6f: {  	_ =	shalt  }
0x70: {  	_ =	shalt  }
0x71: {  	_ =	shalt  }
0x72: {  	_ =	shalt  }
0x73: {  	_ =	shalt  }
0x74: {  	_ =	shalt  }
0x75: {  	_ =	shalt  }
0x76: {  	_ =	shalt  }
0x77: {  	_ =	shalt  }
0x78: {  	_ =	shalt  }
0x79: {  	_ =	shalt  }
0x7a: {  	_ =	shalt  }
0x7b: {  	_ =	shalt  }
0x7c: {  	_ =	shalt  }
0x7d: {  	_ =	shalt  }
0x7e: {  	_ =	shalt  }
0x7f: {  	_ =	shalt  }
0x80: {  	_ =	shalt  }
0x81: {  	_ =	shalt  }
0x82: {  	_ =	shalt  }
0x83: {  	_ =	shalt  }
0x84: {  	_ =	shalt  }
0x85: {  	_ =	shalt  }
0x86: {  	_ =	shalt  }
0x87: {  	_ =	shalt  }
.Lfunc_end0:
.L_simem_size_0:
called_computation_lowered:
.L_overlay_start_0:
0x88: {  	s2 =	sld [smem:$0x3FD9]  }
0x89: {  	s3 =	sld [smem:$0x3FFE];
	_ =	sdelay $0x1  }
0x8a: {  	s1 =	srdreg.scid  }
0x8b: {  	s0 =	sand.u32 $0x1, s1  }
0x8c: {  	s16 =	sshll.u32 s0, $0xA;
	s2 =	sadd.s32 s3, s2  }
0x8d: {  	s2 =	sadd.s32 s2, s16  }
0x8e: {  	[smem:$0x3FC6] =	sst s2  }
0x8f: {  	_ = 	snop  }
0x90: {  	(tm) =	ssettm $0x1  }
0x91: {  	s17 =	sld [smem:$0x3FFB];
	_ =	sdelay $0x3  }
0x92: {  	_ =	strace s17  }
0x93: {  	s2 =	sld [smem:$0x3FFC];
	_ =	sdelay $0x3  }
0x94: {  	_ =	strace s2  }
0x95: {  	s2 =	sld [smem:$0x3FFD];
	_ =	sdelay $0x3  }
0x96: {  	_ =	strace s2  }
0x97: {  	_ =	strace $0x8FFFFFFF  }
0x98: {  	s18 =	sld [smem:$0x3FDB];
	_ =	sdelay $0x1  }
0x99: {  	s19 =	simm.s32 $_scs_section_size  }
0x9a: {  	s4 =	simm.s32 $_size__tile_overlayer_lowered;
	s5 =	simm.s32 $_tile_overlayer_lowered  }
0x9b: {  	s22 =	simm.s32 $0x1BFF;
	s21 =	sshll.u32 s5, $0x1;
	s2 =	sadd.s32 s19, s18  }
0x9c: {  	s6 =	simm.s32 $0x0;
	s20 =	sshll.u32 s4, $0x1;
	s4 =	sadd.s32 s21, s2  }
0x9d: {  	[timem:s6], [sflag:s22] =	dma.local [hbm:s4], s20  }
0x9e: {  	_ =	swait.ge [sflag:s22], s20  }
0x9f: {  	s3 =	ssub.s32 $0x0, s20;
	[sflag:s22] =	ssyncset.done $0x0  }
0xa0: {  	[sflag:s22] =	ssyncadd.s32 s3;
	_ =	sdelay $0x1  }
0xa1: {  	s23 =	simm.s32 $0x1B8B  }
0xa2: {  	_ =	swait.ge [sflag:s23], $0x1  }
0xa3: {  	[sflag:s23] =	ssyncset.done $0x0  }
0xa4: {  	s25 =	simm.s32 $0x1B8E;
	s24 =	sld [smem:$0x3FFE];
	[sflag:s23] =	ssyncadd.s32 $0xFFFFFFFF  }
0xa5: {  	s26 =	simm.s32 $execute0_lowered;
	[smem:$0x3FD2] =	sst s25  }
0xa6: {  	s4 =	sshll.u32 s26, $0x1;
	_ =	strace $0x80000046;
	[dreg:$0x1] =	wrdreg $0xFFFFFFFF  }
0xa7: {  	s28 =	simm.s32 $_size_execute0_lowered;
	s2 =	sadd.s32 s2, s4;
	[dreg:$0x0] =	wrdreg $0x0  }
0xa8: {  	s4 =	sshll.u32 s28, $0x1;
	[dreg:$0x2] =	wrdreg s2  }
0xa9: {  	[dreg:$0x3] =	wrdreg s4  }
0xaa: {  	[dreg:$0x4] =	wrdreg $0xC0  }
0xab: {  	_ =	task [dreg:s6], $0x5FFFF  }
0xac: {  	[dreg:$0x1] =	wrdreg $0xFFFFFFFF  }
0xad: {  	[dreg:$0x0] =	wrdreg $0x60  }
0xae: {  	[dreg:$0x2] =	wrdreg s24  }
0xaf: {  	[dreg:$0x3] =	wrdreg $0x9  }
0xb0: {  	_ =	task.clear_ibuf [dreg:s6], $0x4FFFF;
	_ =	strace $0x90000046  }
0xb1: {  	s29 =	simm.s32 $0x9;
	_ =	strace $0x80000048  }
0xb2: {  	_ =	swait.ge [sflag:s29], $0x1  }
0xb3: {  	[sflag:s29] =	ssyncadd.s32 $0xFFFFFFFF  }
0xb4: {  	_ =	strace $0x90000048  }
0xb5: {  	_ =	sfence  }
0xb6: {  	s30 =	sld [smem:$0x0];
	_ =	sdelay $0x2  }
0xb7: {  	s31 =	sshll.u32 s1, $0xD;
	s1 =	sshrl.u32 s1, $0x2  }
0xb8: {  	s3 =	sand.u32 $0x4000, s31;
	s1 =	sadd.s32 s1, s30  }
0xb9: {  	s0 =	sor.u32 s3, s0;
	s1 =	sshll.u32 s1, $0x11  }
0xba: {  	s0 =	sor.u32 s1, s0  }
0xbb: {  	s0 =	sadd.s32 $0x8F2B, s0  }
0xbc: {  	[sflag:s0] =	ssyncadd.remote.s32 $0x1  }
0xbd: {  	_ =	sfence.sel $0xFFFF  }
0xbe: {  	[dreg:$0x0] =	wrdreg $0xFFFFFFFF;
	(pc) =	sbr.abs _section_cstart, $3  }
0xbf: {  	[dreg:$0x1] =	wrdreg $0xFFFFFFFF  }
0xc0: {  	_ =	task.clear_ibuf [dreg:s6], $0x2FFFF;
	_ =	strace $0x9FFFFFFF  }
0xc1: {  	(tm) =	ssettm $0x7FFFFFFF  }
tec
execute0_lowered:
.L_overlay_start_1:
0x0: {  	(tag) =	ssettag $0x1  }
0x1: {  	s0 =	rddreg [dreg:$0x0];
	v0 =	vimm.s32 $0xFEDCBA98  }
0x2: {  	s1 =	simm.s32 $0x0;
	s30 =	srdreg.scid;
	s3 =	stileid.u32;
	v1 =	vimm.s32 $0x76543210;
	v2 =	vimm.s32 $0xBA98FEDC;
	v3 =	vimm.s32 $0x32107654  }
0x3: {  	v4 =	vimm.s32 $0xDCFE98BA;
	v5 =	vimm.s32 $0x54761032;
	s29 =	simm.s32 $0x1;
	[smem:$0x7FF] =	sst s1;
	s2 =	sadd.s32 $0x1800, s0  }
0x4: {  	v6 =	vimm.s32 $0xEFCDAB89;
	v7 =	vimm.s32 $0x67452301;
	s26 =	sadd.s32 $0x1400, s0;
	s4 =	sadd.s32 $0x1000, s0;
	s3 =	sshll.u32 s3, $0x1  }
0x5: {  	s6 =	sadd.s32 $0x2400, s0;
	s7 =	sadd.s32 $0x2000, s0;
	v0 =	vunpack.c.l.s4.s8 v0;
	s8 =	sadd.s32 $0x1C00, s0;
	v1 =	vunpack.c.l.s4.s8 v1;
	v4 =	vunpack.c.l.s4.s8 v4  }
0x6: {  	v5 =	vunpack.c.l.s4.s8 v5;
	v6 =	vunpack.c.l.s4.s8 v6;
	v7 =	vunpack.c.l.s4.s8 v7;
	_ =	strace $0x80000047;
	[dreg:$0x2] =	wrdreg s2;
	s2 =	sand.u32 $0x1, s30  }
0x7: {  	v2 =	vunpack.c.l.s4.s8 v2;
	v3 =	vunpack.c.l.s4.s8 v3;
	[dreg:$0x4] =	wrdreg s4;
	s3 =	sor.u32 s2, s3;
	s2 =	ssub.s32 $0x2, s2;
	v4 =	vunpack.c.0.s8.s32 v4  }
0x8: {  	v5 =	vunpack.c.0.s8.s32 v5;
	v6 =	vunpack.c.0.s8.s32 v6;
	v7 =	vunpack.c.0.s8.s32 v7;
	s31 =	sshll.u32 s3, $0x5;
	s9 =	sshll.u32 s3, $0xA;
	s10 =	sshrl.u32 s2, $0x1  }
0x9: {  	v0 =	vunpack.c.0.s8.s32 v0;
	v2 =	vunpack.c.0.s8.s32 v2;
	v3 =	vunpack.c.0.s8.s32 v3;
	s4 =	sadd.s32 s31, s0;
	s0 =	sadd.s32 s9, s0;
	s9 =	sshll.u32 s3, $0x8  }
0xa: {  	[dreg:$0x3] =	wrdreg s26;
	v1 =	vunpack.c.0.s8.s32 v1;
	s2 =	ssub.s32 s2, s10;
	v62 =	vcombine.low v5, v4;
	v4 =	vcombine.low v7, v6;
	s10 =	sor.u32 $0x10, s9  }
0xb: {  	v0 =	vand.u32 $0xF, v0;
	s11 =	sor.u32 $0x20, s9;
	s12 =	sor.u32 $0x50, s9;
	s13 =	sor.u32 $0x30, s9  }
0xc: {  	v2 =	vcombine.low v3, v2;
	s14 =	sor.u32 $0x40, s9;
	s15 =	sor.u32 $0x60, s9;
	s16 =	sor.u32 $0x70, s9;
	v14 =	vcombine.low v0, v1;
	v63 =	vand.u32 $0xF, v4  }
0xd: {  	s17 =	sor.u32 $0x80, s9;
	s18 =	sor.u32 $0x90, s9;
	s19 =	sor.u32 $0xA0, s9;
	[tilespmem:$0x1FFC0] =	vst v63  }
0xe: {  	s20 =	sor.u32 $0xB0, s9;
	s21 =	sor.u32 $0xC0, s9;
	s22 =	sor.u32 $0xD0, s9;
	v22 =	vand.u32 $0xF, v2;
	[tilespmem:$0x1FFD0] =	vst v14  }
0xf: {  	s23 =	sadd.s32 $0xA800, s4;
	s24 =	sadd.s32 $0x2800, s0;
	s25 =	smax.u32 s2, $0x1;
	v16 =	vand.u32 $0xF, v62;
	[tilespmem:$0x1FFE0] =	vst v22  }
0x10: {  	v7 =	vimm.f32 $+Inf;
	s26 =	sor.u32 $0xE0, s9;
	s28 =	sor.u32 $0xF0, s9;
	s2 =	simm.s32 $0x0;
	[tilespmem:$0x1FFF0] =	vst v16  }
.LBB2_1:
0x11: {  	s0 =	rddreg [dreg:$0x2]  }
0x12: {  	[tilespmem:s1], [sflag:$0x1] =	stream.linear.gather [hbm4b:s0+s1], $0x2000, $0x38;
	[tilespmem:$0x12100] =	vst v63  }
0x13: {  	_ =	swait.ge [sflag:s29], $0x2000  }
0x14: {  	[sflag:s29] =	ssyncset.done $0x0  }
0x15: {  	s3 =	simm.s32 $0x2000;
	s31 =	rddreg [dreg:$0x3];
	[sflag:s29] =	ssyncadd.s32 $0xFFFFE000  }
0x16: {  	[tilespmem:s3], [sflag:$0x1] =	stream.linear.gather [hbm4b:s31+s1], $0x2000, $0x38;
	[tilespmem:$0x12100] =	vst v63  }
0x17: {  	_ =	swait.ge [sflag:s29], $0x2000  }
0x18: {  	[sflag:s29] =	ssyncset.done $0x0  }
0x19: {  	s4 =	simm.s32 $0x4000;
	s3 =	rddreg [dreg:$0x4];
	[sflag:s29] =	ssyncadd.s32 $0xFFFFE000  }
0x1a: {  	[tilespmem:s4], [sflag:$0x1] =	stream.linear.gather [hbm4b:s3+s1], $0x2000, $0x38;
	[tilespmem:$0x12100] =	vst v63  }
0x1b: {  	_ =	swait.ge [sflag:s29], $0x2000  }
0x1c: {  	[sflag:s29] =	ssyncset.done $0x0  }
0x1d: {  	s5 =	simm.s32 $0x6000;
	[sflag:s29] =	ssyncadd.s32 $0xFFFFE000  }
0x1e: {  	[tilespmem:s5], [sflag:$0x1] =	stream.linear.gather [hbm4b:s6+s1], $0x2000, $0x38;
	[tilespmem:$0x12100] =	vst v63  }
0x1f: {  	_ =	swait.ge [sflag:s29], $0x2000  }
0x20: {  	[sflag:s29] =	ssyncset.done $0x0  }
0x21: {  	s30 =	simm.s32 $0x8000;
	[sflag:s29] =	ssyncadd.s32 $0xFFFFE000  }
0x22: {  	[tilespmem:s30], [sflag:$0x1] =	stream.linear.gather [hbm4b:s7+s1], $0x2000, $0x38;
	[tilespmem:$0x12100] =	vst v63  }
0x23: {  	_ =	swait.ge [sflag:s29], $0x2000  }
0x24: {  	[sflag:s29] =	ssyncset.done $0x0  }
0x25: {  	s31 =	simm.s32 $0xA000;
	[sflag:s29] =	ssyncadd.s32 $0xFFFFE000  }
0x26: {  	[tilespmem:s31], [sflag:$0x1] =	stream.linear.gather [hbm4b:s8+s1], $0x2000, $0x38;
	[tilespmem:$0x12100] =	vst v63  }
0x27: {  	_ =	swait.ge [sflag:s29], $0x2000  }
0x28: {  	[sflag:s29] =	ssyncset.done $0x0  }
0x29: {  	s0 =	simm.s32 $0x0;
	[sflag:s29] =	ssyncadd.s32 $0xFFFFE000  }
0x2a: {  	v0 =	vld [tilespmem:s0+$0x0];
	_ =	sdelay $0x1  }
0x2b: {  	v1 =	vld [tilespmem:s0+$0x2000]  }
0x2c: {  	v2 =	vld [tilespmem:s0+$0x4000];
	_ =	sdelay $0x1  }
0x2d: {  	v3 =	vshrl.u32 v0, $0x10  }
0x2e: {  	v3 =	vand.u32 $0x1, v3  }
0x2f: {  	v4 =	vmul.f32 v0, v0;
	v5 =	vshrl.u32 v1, $0x10;
	v0 =	vadd.s32 v3, v0  }
0x30: {  	v3 =	vand.u32 $0x1, v5;
	v5 =	vshrl.u32 v2, $0x10;
	v0 =	vadd.s32 $0x7FFF, v0  }
0x31: {  	v3 =	vadd.s32 v3, v1;
	v5 =	vand.u32 $0x1, v5;
	v1 =	vmul.f32 v1, v1  }
0x32: {  	v0 =	vand.u32 $0xFFFF0000, v0;
	v3 =	vadd.s32 $0x7FFF, v3;
	v5 =	vadd.s32 v5, v2  }
0x33: {  	s3 =	simm.s32 $0x10;
	[tilespmem:s0+$0x0] =	vst v0;
	v3 =	vand.u32 $0xFFFF0000, v3;
	v5 =	vadd.s32 $0x7FFF, v5  }
0x34: {  	s4 =	simm.s32 $0x80;
	v2 =	vmul.f32 v2, v2;
	v1 =	vadd.f32 v1, v4;
	v0 =	vld [tilespmem:s3+$0x0];
	[tilespmem:s0+$0x2000] =	vst v3;
	v3 =	vand.u32 $0xFFFF0000, v5  }
.LBB2_2:
0x35: {  	p0 =	sne.s32 s4, $0x7FC0;
	v4 =	vld [tilespmem:s3+$0x2000];
	[tilespmem:s0+$0x4000] =	vst v3  }
0x36: {  	v3 =	vld [tilespmem:s3+$0x4000];
	v1 =	vadd.f32 v2, v1;
	_ =	sdelay $0x1  }
0x37: {  	[tilespmem:s0+$0xC000] =	vst v1;
	s0 =	smov.u32 s3  }
0x38: {  	v1 =	vmul.f32 v0, v0;
	v2 =	vshrl.u32 v0, $0x10  }
0x39: {  	v5 =	vmul.f32 v4, v4;
	v2 =	vand.u32 $0x1, v2;
	v6 =	vshrl.u32 v4, $0x10  }
.Ltmp0:
0x3a: {  	v0 =	vadd.s32 v2, v0;
	v2 =	vand.u32 $0x1, v6;
	v6 =	vshrl.u32 v3, $0x10;
	(pc) =	sbr.rel @p0 .LBB2_2-.Ltmp0, $4  }
0x3b: {  	v0 =	vadd.s32 $0x7FFF, v0;
	v2 =	vadd.s32 v2, v4;
	v4 =	vand.u32 $0x1, v6  }
0x3c: {  	v0 =	vand.u32 $0xFFFF0000, v0;
	v2 =	vadd.s32 $0x7FFF, v2;
	v4 =	vadd.s32 v4, v3  }
0x3d: {  	s3 =	sshra.s32 s4, $0x2;
	v1 =	vadd.f32 v5, v1;
	[tilespmem:s0+$0x0] =	vst v0;
	v5 =	vand.u32 $0xFFFF0000, v2;
	v4 =	vadd.s32 $0x7FFF, v4  }
0x3e: {  	s4 =	sadd.s32 $0x40, s4;
	v2 =	vmul.f32 v3, v3;
	v0 =	vld [tilespmem:s3+$0x0];
	[tilespmem:s0+$0x2000] =	vst v5;
	v3 =	vand.u32 $0xFFFF0000, v4  }
0x3f: {  	v4 =	vld [tilespmem:s3+$0x2000]  }
0x40: {  	[tilespmem:s0+$0x4000] =	vst v3  }
0x41: {  	v3 =	vld [tilespmem:s3+$0x4000];
	_ =	sdelay $0x1  }
0x42: {  	v1 =	vadd.f32 v2, v1;
	v2 =	vshrl.u32 v0, $0x10  }
0x43: {  	v5 =	vmul.f32 v0, v0;
	v2 =	vand.u32 $0x1, v2;
	v6 =	vshrl.u32 v4, $0x10  }
0x44: {  	v0 =	vadd.s32 v2, v0;
	v2 =	vmul.f32 v4, v4;
	v6 =	vand.u32 $0x1, v6  }
0x45: {  	v4 =	vadd.s32 v6, v4;
	v6 =	vshrl.u32 v3, $0x10;
	v0 =	vadd.s32 $0x7FFF, v0  }
0x46: {  	v6 =	vand.u32 $0x1, v6;
	v0 =	vand.u32 $0xFFFF0000, v0;
	v4 =	vadd.s32 $0x7FFF, v4  }
0x47: {  	[tilespmem:s0+$0xC000] =	vst v1;
	v2 =	vadd.f32 v2, v5;
	v1 =	vadd.s32 v6, v3;
	v3 =	vmul.f32 v3, v3  }
0x48: {  	[tilespmem:s3+$0x0] =	vst v0;
	v0 =	vand.u32 $0xFFFF0000, v4;
	v1 =	vadd.s32 $0x7FFF, v1  }
0x49: {  	[tilespmem:s3+$0x2000] =	vst v0;
	v0 =	vand.u32 $0xFFFF0000, v1;
	v1 =	vadd.f32 v3, v2  }
0x4a: {  	[tilespmem:s3+$0x4000] =	vst v0  }
0x4b: {  	[tilespmem:s3+$0xC000] =	vst v1;
	s3 =	simm.s32 $0x0  }
0x4c: {  	v0 =	vld [tilespmem:s3+$0x6000];
	_ =	sdelay $0x1  }
0x4d: {  	v1 =	vld [tilespmem:s3+$0x8000]  }
0x4e: {  	v2 =	vld [tilespmem:s3+$0xA000];
	_ =	sdelay $0x1  }
0x4f: {  	v3 =	vshrl.u32 v0, $0x10  }
0x50: {  	v3 =	vand.u32 $0x1, v3  }
0x51: {  	v4 =	vmul.f32 v0, v0;
	v5 =	vshrl.u32 v1, $0x10;
	v0 =	vadd.s32 v3, v0  }
0x52: {  	v3 =	vand.u32 $0x1, v5;
	v5 =	vshrl.u32 v2, $0x10;
	v0 =	vadd.s32 $0x7FFF, v0  }
0x53: {  	v3 =	vadd.s32 v3, v1;
	v5 =	vand.u32 $0x1, v5;
	v1 =	vmul.f32 v1, v1  }
0x54: {  	v0 =	vand.u32 $0xFFFF0000, v0;
	v3 =	vadd.s32 $0x7FFF, v3;
	v5 =	vadd.s32 v5, v2  }
0x55: {  	s4 =	simm.s32 $0x10;
	[tilespmem:s3+$0x6000] =	vst v0;
	v3 =	vand.u32 $0xFFFF0000, v3;
	v5 =	vadd.s32 $0x7FFF, v5  }
0x56: {  	s30 =	simm.s32 $0x80;
	s0 =	simm.s32 $0x40;
	v2 =	vmul.f32 v2, v2;
	v1 =	vadd.f32 v1, v4;
	v0 =	vld [tilespmem:s4+$0x6000];
	[tilespmem:s3+$0x8000] =	vst v3;
	v3 =	vand.u32 $0xFFFF0000, v5  }
.LBB2_4:
0x57: {  	p0 =	sne.s32 s30, $0x7FC0;
	v4 =	vld [tilespmem:s4+$0x8000];
	[tilespmem:s3+$0xA000] =	vst v3  }
0x58: {  	v3 =	vld [tilespmem:s4+$0xA000];
	v1 =	vadd.f32 v2, v1;
	_ =	sdelay $0x1  }
0x59: {  	[tilespmem:s3+$0xE000] =	vst v1;
	s3 =	smov.u32 s4  }
0x5a: {  	v1 =	vmul.f32 v0, v0;
	v2 =	vshrl.u32 v0, $0x10  }
0x5b: {  	v5 =	vmul.f32 v4, v4;
	v2 =	vand.u32 $0x1, v2;
	v6 =	vshrl.u32 v4, $0x10  }
.Ltmp1:
0x5c: {  	v0 =	vadd.s32 v2, v0;
	v2 =	vand.u32 $0x1, v6;
	v6 =	vshrl.u32 v3, $0x10;
	(pc) =	sbr.rel @p0 .LBB2_4-.Ltmp1, $4  }
0x5d: {  	v0 =	vadd.s32 $0x7FFF, v0;
	v2 =	vadd.s32 v2, v4;
	v4 =	vand.u32 $0x1, v6  }
0x5e: {  	v0 =	vand.u32 $0xFFFF0000, v0;
	v2 =	vadd.s32 $0x7FFF, v2;
	v4 =	vadd.s32 v4, v3  }
0x5f: {  	s4 =	sshra.s32 s30, $0x2;
	v1 =	vadd.f32 v5, v1;
	[tilespmem:s3+$0x6000] =	vst v0;
	v5 =	vand.u32 $0xFFFF0000, v2;
	v4 =	vadd.s32 $0x7FFF, v4  }
0x60: {  	s30 =	sadd.s32 $0x40, s30;
	v2 =	vmul.f32 v3, v3;
	v0 =	vld [tilespmem:s4+$0x6000];
	[tilespmem:s3+$0x8000] =	vst v5;
	v3 =	vand.u32 $0xFFFF0000, v4  }
0x61: {  	v4 =	vld [tilespmem:s4+$0x8000]  }
0x62: {  	[tilespmem:s3+$0xA000] =	vst v3  }
0x63: {  	v3 =	vld [tilespmem:s4+$0xA000];
	_ =	sdelay $0x1  }
0x64: {  	v1 =	vadd.f32 v2, v1;
	v57 =	vshrl.u32 v0, $0x10  }
0x65: {  	v5 =	vmul.f32 v0, v0;
	v2 =	vand.u32 $0x1, v57;
	v6 =	vshrl.u32 v4, $0x10  }
0x66: {  	v59 =	vmul.f32 v4, v4;
	v58 =	vadd.s32 v2, v0;
	v6 =	vand.u32 $0x1, v6  }
0x67: {  	v4 =	vadd.s32 v6, v4;
	v6 =	vshrl.u32 v3, $0x10;
	v0 =	vadd.s32 $0x7FFF, v58  }
0x68: {  	v2 =	vadd.f32 v59, v5;
	v6 =	vand.u32 $0x1, v6;
	v0 =	vand.u32 $0xFFFF0000, v0  }
0x69: {  	[tilespmem:s3+$0xE000] =	vst v1;
	v4 =	vadd.s32 $0x7FFF, v4;
	v60 =	vadd.s32 v6, v3;
	v3 =	vmul.f32 v3, v3  }
0x6a: {  	[tilespmem:s4+$0x6000] =	vst v0;
	v61 =	vand.u32 $0xFFFF0000, v4;
	v1 =	vadd.s32 $0x7FFF, v60  }
0x6b: {  	[tilespmem:s4+$0x8000] =	vst v61;
	v62 =	vand.u32 $0xFFFF0000, v1;
	v63 =	vadd.f32 v3, v2  }
0x6c: {  	[tilespmem:s4+$0xA000] =	vst v62  }
0x6d: {  	s3 =	simm.s32 $0x0;
	[tilespmem:s4+$0xE000] =	vst v63  }
.LBB2_6:
0x6e: {  	p0 =	sne.s32 s0, $0x7FC0;
	[tilespmem:s3+$0x10000] =	vst v7;
	s3 =	smov.u32 s0;
	s0 =	sadd.s32 $0x40, s0  }
.Ltmp2:
0x6f: {  	(pc) =	sbr.rel @p0 .LBB2_6-.Ltmp2, $2  }
0x70: {  	_ =	sdelay $0x2  }
0x71: {  	s3 =	sshra.s32 s3, $0x2  }
0x72: {  	[tilespmem:s3+$0x10000] =	vst v7  }
0x73: {  	v0 =	vld [tilespmem:s9+$0x0]  }
0x74: {  	v1 =	vld [tilespmem:s9+$0x2000]  }
0x75: {  	v2 =	vld [tilespmem:s9+$0x4000]  }
0x76: {  	v3 =	vld [tilespmem:s9+$0xC000]  }
0x77: {  	v4 =	vld [tilespmem:s10+$0x2000]  }
0x78: {  	v5 =	vld [tilespmem:s10+$0x4000]  }
0x79: {  	v6 =	vld [tilespmem:s11+$0x0]  }
0x7a: {  	v7 =	vld [tilespmem:s11+$0x2000]  }
0x7b: {  	v8 =	vld [tilespmem:s11+$0x4000]  }
0x7c: {  	v9 =	vld [tilespmem:s13+$0x0]  }
0x7d: {  	v17 =	vld [tilespmem:s13+$0x2000]  }
0x7e: {  	v18 =	vld [tilespmem:s13+$0x4000]  }
0x7f: {  	v19 =	vld [tilespmem:s14+$0x0]  }
0x80: {  	v20 =	vld [tilespmem:s14+$0x2000]  }
0x81: {  	v21 =	vld [tilespmem:s14+$0x4000]  }
0x82: {  	v23 =	vld [tilespmem:s12+$0x0]  }
0x83: {  	v13 =	vld [tilespmem:s14+$0xC000]  }
0x84: {  	[tilespmem:$0x1FF10] =	vst v3;
	v3 =	vld [tilespmem:s10+$0x0]  }
0x85: {  	v10 =	vmul.f32 $-2.000000000e+00, v0;
	v0 =	vld [tilespmem:s12+$0x2000]  }
0x86: {  	v12 =	vmul.f32 $-2.000000000e+00, v5;
	v5 =	vld [tilespmem:s16+$0x0]  }
0x87: {  	v11 =	vmul.f32 $-2.000000000e+00, v1;
	v31 =	vmul.f32 $-2.000000000e+00, v6;
	v6 =	vld [tilespmem:s16+$0x2000]  }
0x88: {  	v1 =	vmul.f32 $-2.000000000e+00, v2;
	v32 =	vmul.f32 $-2.000000000e+00, v7;
	v7 =	vld [tilespmem:s16+$0x4000]  }
0x89: {  	v2 =	vmul.f32 $-2.000000000e+00, v4;
	v39 =	vmul.f32 $-2.000000000e+00, v18;
	v18 =	vld [tilespmem:s13+$0xC000]  }
0x8a: {  	[tilespmem:$0x1FF20] =	vst v1;
	v1 =	vld [tilespmem:s12+$0x4000]  }
0x8b: {  	v4 =	vmul.f32 $-2.000000000e+00, v8;
	[tilespmem:$0x1FF30] =	vst v2;
	v2 =	vld [tilespmem:s15+$0x0]  }
0x8c: {  	v25 =	vmul.f32 $-2.000000000e+00, v0;
	v0 =	vld [tilespmem:s11+$0xC000]  }
0x8d: {  	[tilespmem:$0x1FF40] =	vst v4;
	v4 =	vld [tilespmem:s15+$0x4000]  }
0x8e: {  	v44 =	vmul.f32 $-2.000000000e+00, v19;
	v19 =	vmov v10;
	v10 =	vld [tilespmem:s15+$0xC000]  }
0x8f: {  	v46 =	vmul.f32 $-2.000000000e+00, v21;
	v21 =	vmul.f32 $-2.000000000e+00, v23;
	v23 =	vmov v11;
	v11 =	vld [tilespmem:s16+$0xC000]  }
0x90: {  	v42 =	vimm.f32 $+Inf;
	[tilespmem:$0x1FF80] =	vst v13;
	v28 =	vmul.f32 $-2.000000000e+00, v3;
	v3 =	vld [tilespmem:s15+$0x2000]  }
0x91: {  	v45 =	vimm.f32 $+Inf;
	v35 =	vmul.f32 $-2.000000000e+00, v9;
	v38 =	vmul.f32 $-2.000000000e+00, v17;
	[tilespmem:$0x1FF50] =	vst v0;
	v0 =	vld [tilespmem:s12+$0xC000]  }
0x92: {  	v27 =	vimm.f32 $+Inf;
	v20 =	vmul.f32 $-2.000000000e+00, v20;
	[tilespmem:$0x1FF90] =	vst v12;
	v41 =	vmul.f32 $-2.000000000e+00, v5  }
0x93: {  	v17 =	vlaneseq.u32;
	v47 =	vmul.f32 $-2.000000000e+00, v6;
	v43 =	vmul.f32 $-2.000000000e+00, v7;
	[tilespmem:$0x1FF70] =	vst v18  }
0x94: {  	v5 =	vimm.f32 $+Inf;
	v24 =	vmul.f32 $-2.000000000e+00, v1;
	v26 =	vmul.f32 $-2.000000000e+00, v2;
	[tilespmem:$0x1FFA0] =	vst v10  }
0x95: {  	v40 =	vmul.f32 $-2.000000000e+00, v4;
	v4 =	vimm.f32 $+Inf;
	v2 =	vimm.f32 $+Inf;
	[tilespmem:$0x1FFB0] =	vst v11  }
0x96: {  	s30 =	simm.s32 $0x0;
	s31 =	simm.s32 $0x0;
	v34 =	vld [tilespmem:s10+$0xC000];
	v1 =	vimm.f32 $+Inf;
	v33 =	vmul.f32 $-2.000000000e+00, v3;
	v3 =	vimm.f32 $+Inf;
	[tilespmem:$0x1FF60] =	vst v0  }
.LBB2_8:
0x97: {  	s0 =	sshll.u32 s31, $0x4  }
0x98: {  	v53 =	vld [tilespmem:s0+$0x6000]  }
0x99: {  	v15 =	vld [tilespmem:s0+$0xE000]  }
0x9a: {  	v29 =	vld [tilespmem:s0+$0x8000]  }
0x9b: {  	v55 =	vld [tilespmem:s0+$0xA000]  }
0x9c: {  	s3 =	simm.s32 $0x1  }
0x9d: {  	[tilespmem:$0x1FEE0] =	vst v3;
	v37 =	vmov s3  }
0x9e: {  	[tilespmem:$0x1FE60] =	vst v2;
	v0 =	vperm.xlane v53, v37  }
0x9f: {  	[tilespmem:$0x1FE70] =	vst v1;
	v1 =	vperm.xlane v15, v37;
	v2 =	vperm.xlane v29, v37  }
0xa0: {  	[tilespmem:$0x1FEF0] =	vst v4;
	v30 =	vld [tilespmem:$0x1FF30];
	v60 =	vperm.xlane v55, v37;
	v3 =	vmul.f32 v0, v35  }
0xa1: {  	[tilespmem:$0x1FF00] =	vst v5;
	v4 =	vmul.f32 v0, v31;
	v5 =	vmul.f32 v2, v38  }
0xa2: {  	v6 =	vmul.f32 v2, v32;
	v7 =	vmul.f32 v2, v23  }
0xa3: {  	v8 =	vmul.f32 v0, v19;
	v9 =	vmul.f32 v0, v26;
	v3 =	vadd.f32 v1, v3  }
0xa4: {  	v48 =	vmul.f32 v0, v21;
	v49 =	vmul.f32 v2, v20;
	v4 =	vadd.f32 v1, v4  }
0xa5: {  	v50 =	vmul.f32 v2, v30;
	v3 =	vadd.f32 v3, v5;
	v5 =	vmul.f32 v0, v41  }
0xa6: {  	v4 =	vadd.f32 v4, v6;
	v6 =	vadd.f32 v1, v8;
	v8 =	vmul.f32 v0, v28  }
0xa7: {  	v9 =	vadd.f32 v1, v9;
	v48 =	vadd.f32 v1, v48;
	v0 =	vmul.f32 v0, v44  }
0xa8: {  	v52 =	vmul.f32 v2, v25;
	v5 =	vadd.f32 v1, v5;
	v8 =	vadd.f32 v1, v8  }
0xa9: {  	v0 =	vadd.f32 v1, v0;
	v1 =	vmul.f32 v2, v47;
	v2 =	vmul.f32 v2, v33  }
0xaa: {  	v51 =	vmov s30  }
0xab: {  	[tilespmem:$0x1FEA0] =	vst v15;
	v61 =	vmul.f32 v60, v43;
	v2 =	vadd.f32 v9, v2;
	v9 =	vperm.xlane v15, v51;
	v15 =	vld [tilespmem:$0x1FF20]  }
0xac: {  	v6 =	vadd.f32 v6, v7;
	v7 =	vperm.xlane v53, v51;
	v0 =	vadd.f32 v0, v49  }
0xad: {  	[tilespmem:$0x1FEC0] =	vst v29;
	v62 =	vmul.f32 v60, v40;
	v1 =	vadd.f32 v5, v1;
	v5 =	vmul.f32 v60, v39  }
0xae: {  	v63 =	vmul.f32 v7, v19;
	[tilespmem:$0x1FED0] =	vst v0;
	v0 =	vperm.xlane v29, v51;
	v29 =	vld [tilespmem:$0x1FF40]  }
0xaf: {  	v48 =	vadd.f32 v48, v52;
	v49 =	vmul.f32 v7, v31;
	v36 =	vmul.f32 v7, v35  }
0xb0: {  	v8 =	vadd.f32 v8, v50;
	v57 =	vmul.f32 v7, v28;
	v54 =	vmul.f32 v60, v15  }
0xb1: {  	[tilespmem:$0x1FE80] =	vst v37;
	v37 =	vadd.f32 v1, v61;
	v1 =	vperm.xlane v55, v51;
	v50 =	vadd.f32 v2, v62  }
0xb2: {  	v58 =	vadd.f32 v9, v49;
	v49 =	vadd.f32 v6, v54;
	v6 =	vmul.f32 v7, v44  }
0xb3: {  	v2 =	vadd.f32 v9, v63;
	v52 =	vadd.f32 v3, v5;
	v54 =	vmul.f32 v60, v29  }
0xb4: {  	[tilespmem:$0x1FEB0] =	vst v55;
	v3 =	vadd.f32 v9, v36;
	v55 =	vmul.f32 v0, v20;
	v6 =	vadd.f32 v9, v6  }
0xb5: {  	[tilespmem:$0x1FE90] =	vst v53;
	v5 =	vmul.f32 v7, v26;
	v53 =	vadd.f32 v9, v57;
	v54 =	vadd.f32 v4, v54  }
0xb6: {  	v4 =	vadd.f32 v6, v55;
	v6 =	vmul.f32 v7, v41;
	v7 =	vmul.f32 v7, v21  }
0xb7: {  	v36 =	vmul.f32 v0, v32;
	v63 =	vmul.f32 v1, v46;
	v5 =	vadd.f32 v9, v5  }
0xb8: {  	v6 =	vadd.f32 v9, v6;
	v7 =	vadd.f32 v9, v7;
	v9 =	vmul.f32 v0, v25  }
0xb9: {  	v56 =	vmul.f32 v0, v47;
	v57 =	vadd.f32 v58, v36  }
0xba: {  	v58 =	vadd.f32 v4, v63;
	v4 =	vmul.f32 v60, v12;
	v7 =	vadd.f32 v7, v9;
	v9 =	vld [tilespmem:$0x1FF10]  }
0xbb: {  	v61 =	vmul.f32 v0, v33;
	v59 =	vmul.f32 v1, v43  }
0xbc: {  	v6 =	vadd.f32 v6, v56;
	v63 =	vadd.f32 v8, v4;
	v4 =	vmul.f32 v1, v24  }
0xbd: {  	v5 =	vadd.f32 v5, v61  }
0xbe: {  	v36 =	vmul.f32 v1, v40;
	v61 =	vadd.f32 v6, v59;
	v7 =	vadd.f32 v7, v4;
	v6 =	vld [tilespmem:$0x1FF50]  }
0xbf: {  	v4 =	vadd.f32 v63, v34;
	v9 =	vadd.f32 v49, v9  }
0xc0: {  	v55 =	vadd.f32 v5, v36;
	v8 =	vmul.f32 v0, v30  }
0xc1: {  	v5 =	vmul.f32 v1, v29;
	v29 =	vmin.f32 v9, v4;
	v4 =	vmul.f32 v0, v38  }
0xc2: {  	v8 =	vadd.f32 v53, v8;
	v0 =	vmul.f32 v0, v23  }
0xc3: {  	v36 =	vmul.f32 v1, v12;
	v53 =	vadd.f32 v54, v6;
	v3 =	vadd.f32 v3, v4  }
0xc4: {  	v4 =	vadd.f32 v52, v18;
	v9 =	vadd.f32 v2, v0;
	v2 =	vmul.f32 v1, v39;
	_ =	sdelay $0x1  }
0xc5: {  	v53 =	vmin.f32 v53, v4;
	v4 =	vadd.f32 v8, v36;
	v8 =	vadd.f32 v3, v2;
	v2 =	vld [tilespmem:$0x1FEE0];
	_ =	sdelay $0x3  }
0xc6: {  	v62 =	vadd.f32 v37, v11  }
0xc7: {  	v57 =	vadd.f32 v57, v5;
	v5 =	vadd.f32 v50, v10;
	v56 =	vmin.f32 v2, v61;
	v2 =	vld [tilespmem:$0x1FEF0];
	_ =	sdelay $0x1  }
0xc8: {  	v5 =	vmin.f32 v5, v62;
	v62 =	vmul.f32 v60, v24  }
0xc9: {  	v59 =	vmul.f32 v60, v46;
	v0 =	vld [tilespmem:$0x1FED0]  }
0xca: {  	v60 =	vadd.f32 v48, v62;
	v48 =	vmul.f32 v1, v15;
	v1 =	vadd.f32 v55, v10;
	v10 =	vld [tilespmem:$0x1FF00]  }
0xcb: {  	v62 =	vmin.f32 v2, v7;
	v2 =	vld [tilespmem:$0x1FF60];
	_ =	sdelay $0x2  }
0xcc: {  	v6 =	vadd.f32 v58, v13  }
0xcd: {  	v3 =	vadd.f32 v61, v11;
	v0 =	vadd.f32 v0, v59  }
0xce: {  	v59 =	vmin.f32 v10, v8;
	v8 =	vadd.f32 v8, v18;
	v7 =	vadd.f32 v7, v2  }
0xcf: {  	v61 =	vadd.f32 v9, v48;
	v9 =	vadd.f32 v4, v34;
	v2 =	vmin.f32 v29, v53  }
0xd0: {  	s3 =	simm.s32 $0x2;
	v53 =	vimm.f32 $+Inf;
	v6 =	vmin.f32 v6, v7;
	v7 =	vadd.f32 v0, v13  }
.LBB2_9:
0xd1: {  	v11 =	vld [tilespmem:$0x1FF60]  }
0xd2: {  	v18 =	vld [tilespmem:$0x1FF10]  }
0xd3: {  	v29 =	vld [tilespmem:$0x1FEA0]  }
0xd4: {  	v30 =	vld [tilespmem:$0x1FEC0]  }
0xd5: {  	v15 =	vmov v22;
	v22 =	vld [tilespmem:$0x1FE90]  }
0xd6: {  	v4 =	vmin.f32 v27, v4;
	v27 =	vld [tilespmem:$0x1FF50]  }
0xd7: {  	s5 =	sadd.s32 $0x1, s3  }
0xd8: {  	v1 =	vmin.f32 v1, v3;
	v12 =	vmov s5  }
0xd9: {  	v1 =	vmin.f32 v6, v1;
	v11 =	vadd.f32 v60, v11;
	v4 =	vmin.f32 v4, v63  }
0xda: {  	v13 =	vadd.f32 v61, v18;
	v63 =	vperm.xlane v29, v12;
	[tilespmem:$0x1FE30] =	vst v4;
	v4 =	vperm.xlane v22, v12  }
0xdb: {  	v3 =	vperm.xlane v30, v12;
	v7 =	vmin.f32 v7, v11;
	v10 =	vadd.f32 v57, v27  }
0xdc: {  	v9 =	vmin.f32 v13, v9;
	v5 =	vmin.f32 v7, v5;
	v11 =	vmul.f32 v4, v35  }
0xdd: {  	v2 =	vmin.f32 v2, v5;
	v6 =	vmul.f32 v4, v31;
	v7 =	vmin.f32 v10, v8  }
0xde: {  	v8 =	vmul.f32 v3, v38;
	v7 =	vmin.f32 v9, v7;
	v5 =	vadd.f32 v63, v11  }
0xdf: {  	v9 =	vmul.f32 v3, v32;
	v6 =	vadd.f32 v63, v6;
	v1 =	vmin.f32 v7, v1  }
0xe0: {  	v5 =	vadd.f32 v5, v8;
	v8 =	vperm.xlane v1, v14  }
0xe1: {  	v6 =	vadd.f32 v6, v9;
	v9 =	vperm.xlane v2, v14  }
0xe2: {  	v1 =	vmin.f32 v1, v8  }
0xe3: {  	v2 =	vmin.f32 v2, v9;
	v9 =	vmul.f32 v4, v26;
	v8 =	vperm.xlane v1, v15  }
0xe4: {  	v7 =	vmin.f32 v45, v58  }
0xe5: {  	v0 =	vmin.f32 v7, v0;
	v1 =	vmin.f32 v1, v8;
	v8 =	vadd.f32 v63, v9;
	v9 =	vld [tilespmem:$0x1FE60]  }
0xe6: {  	[tilespmem:$0x1FE50] =	vst v0;
	v0 =	vld [tilespmem:$0x1FE80]  }
0xe7: {  	vm1 =	veq.s32 v51, v17  }
0xe8: {  	v48 =	vld [tilespmem:$0x1FFC0];
	v36 =	vmovc v32;
	v59 =	vmin.f32 v59, v52;
	v60 =	vmin.f32 v62, v60;
	v62 =	vmul.f32 v3, v25  }
0xe9: {  	v10 =	vmul.f32 v3, v23;
	v32 =	vmul.f32 v3, v20;
	v45 =	vmovc v12;
	v12 =	vmin.f32 v42, v55;
	v14 =	vld [tilespmem:$0x1FE70]  }
0xea: {  	v11 =	vperm.xlane v2, v15;
	v13 =	vperm.xlane v1, v16;
	v9 =	vmin.f32 v9, v57  }
0xeb: {  	vm0 =	veq.s32 v0, v17;
	v0 =	vmul.f32 v4, v19;
	v9 =	vmin.f32 v9, v54  }
0xec: {  	s4 =	smov.u32 s3;
	v2 =	vmin.f32 v2, v11;
	v1 =	vmin.f32 v1, v13;
	[tilespmem:$0x1FE60] =	vst v9;
	v9 =	vmin.f32 v12, v50  }
0xed: {  	v51 =	vmov s4;
	v11 =	vperm.xlane v1, v48;
	[tilespmem:$0x1FE40] =	vst v9;
	v9 =	vperm.xlane v2, v16  }
0xee: {  	v7 =	vmul.f32 v4, v41;
	v58 =	vmin.f32 v14, v61;
	v0 =	vadd.f32 v63, v0  }
0xef: {  	v1 =	vmin.f32 v1, v11;
	v11 =	vmin.f32 v58, v49;
	v2 =	vmin.f32 v2, v9  }
0xf0: {  	v7 =	vadd.f32 v63, v7;
	v13 =	vmul.f32 v4, v21;
	[tilespmem:$0x1FE70] =	vst v11;
	v16 =	vld [tilespmem:$0x1FF30];
	v11 =	vperm.xlane v2, v48  }
0xf1: {  	v14 =	vld [tilespmem:$0x1FEB0];
	v0 =	vadd.f32 v0, v10;
	v10 =	vperm.xlane v29, v51;
	v1 =	vmin.f32 v53, v1  }
0xf2: {  	v1 =	vsel vm1, v1, v53;
	v2 =	vmin.f32 v2, v11;
	v11 =	vmul.f32 v3, v47  }
0xf3: {  	v9 =	vmul.f32 v4, v28;
	v4 =	vmul.f32 v4, v44;
	v2 =	vmin.f32 v1, v2  }
0xf4: {  	v53 =	vsel vm0, v2, v1;
	v2 =	vadd.f32 v7, v11;
	v7 =	vperm.xlane v22, v51;
	v22 =	vld [tilespmem:$0x1FF20]  }
0xf5: {  	v9 =	vadd.f32 v63, v9;
	v4 =	vadd.f32 v63, v4;
	v61 =	vmul.f32 v3, v16  }
0xf6: {  	v13 =	vadd.f32 v63, v13;
	v57 =	vperm.xlane v14, v45;
	v12 =	vmin.f32 v56, v37  }
0xf7: {  	v4 =	vadd.f32 v4, v32;
	v9 =	vadd.f32 v9, v61;
	v1 =	vmul.f32 v3, v33  }
0xf8: {  	v3 =	vmul.f32 v57, v39;
	v11 =	vadd.f32 v13, v62;
	v13 =	vmul.f32 v57, v40  }
0xf9: {  	v1 =	vadd.f32 v8, v1;
	v8 =	vmul.f32 v57, v43;
	v42 =	vmul.f32 v57, v22  }
0xfa: {  	[tilespmem:$0x1FE80] =	vst v45;
	v32 =	vmul.f32 v7, v19;
	v45 =	vmul.f32 v7, v28;
	v52 =	vadd.f32 v5, v3  }
0xfb: {  	v3 =	vperm.xlane v30, v51;
	v37 =	vadd.f32 v2, v8;
	v49 =	vadd.f32 v0, v42;
	v42 =	vld [tilespmem:$0x1FF40]  }
0xfc: {  	v2 =	vperm.xlane v14, v51;
	v8 =	vmul.f32 v7, v31;
	v50 =	vadd.f32 v1, v13  }
0xfd: {  	v13 =	vadd.f32 v10, v32;
	v1 =	vmul.f32 v7, v35;
	v58 =	vmul.f32 v3, v20  }
0xfe: {  	v48 =	vmul.f32 v3, v36;
	v62 =	vmul.f32 v3, v47;
	v8 =	vadd.f32 v10, v8  }
0xff: {  	v14 =	vadd.f32 v10, v1;
	v1 =	vmul.f32 v7, v26;
	v0 =	vmul.f32 v7, v44  }
0x100: {  	v8 =	vadd.f32 v8, v48;
	v48 =	vmul.f32 v3, v33;
	v55 =	vmul.f32 v57, v42  }
0x101: {  	v56 =	vmul.f32 v2, v43;
	v1 =	vadd.f32 v10, v1;
	v0 =	vadd.f32 v10, v0  }
0x102: {  	v29 =	vld [tilespmem:$0x1FFA0];
	v54 =	vadd.f32 v6, v55;
	v6 =	vmul.f32 v2, v42;
	v42 =	vmul.f32 v7, v41  }
0x103: {  	v32 =	vld [tilespmem:$0x1FFB0];
	v63 =	vmul.f32 v2, v46;
	v1 =	vadd.f32 v1, v48;
	v0 =	vadd.f32 v0, v58  }
0x104: {  	v48 =	vmovc v43;
	v43 =	vmovc v47;
	v47 =	vmov v20;
	v20 =	vmul.f32 v2, v40;
	v55 =	vadd.f32 v10, v42  }
0x105: {  	v30 =	vld [tilespmem:$0x1FF90];
	v5 =	vadd.f32 v10, v45;
	v58 =	vadd.f32 v0, v63  }
0x106: {  	v0 =	vadd.f32 v55, v62;
	v55 =	vadd.f32 v1, v20;
	v1 =	vld [tilespmem:$0x1FF80]  }
0x107: {  	v16 =	vmul.f32 v3, v16;
	v15 =	vadd.f32 v50, v29;
	v17 =	vmul.f32 v2, v39;
	v45 =	vmovc v39  }
0x108: {  	v39 =	vmovc v35;
	v35 =	vmovc v31;
	v31 =	vmov v28;
	v61 =	vadd.f32 v37, v32;
	v7 =	vmul.f32 v7, v21  }
0x109: {  	v28 =	vmovc v19;
	v19 =	vmul.f32 v2, v22;
	v18 =	vadd.f32 v49, v18;
	v0 =	vadd.f32 v0, v56  }
0x10a: {  	v7 =	vadd.f32 v10, v7;
	v10 =	vmul.f32 v3, v25;
	v62 =	vmul.f32 v57, v30  }
0x10b: {  	v56 =	vmin.f32 v12, v0;
	v12 =	vmul.f32 v3, v38;
	v20 =	vadd.f32 v58, v1  }
0x10c: {  	v1 =	vadd.f32 v55, v29;
	v29 =	vmul.f32 v3, v23;
	v3 =	vadd.f32 v0, v32;
	v0 =	vld [tilespmem:$0x1FF60]  }
0x10d: {  	v22 =	vmul.f32 v2, v24;
	v42 =	vmovc v41;
	v7 =	vadd.f32 v7, v10;
	v63 =	vadd.f32 v9, v62  }
0x10e: {  	v41 =	vmovc v40;
	v40 =	vmovc v33;
	v33 =	vmov v26;
	v26 =	vmov v21;
	v21 =	vadd.f32 v54, v27  }
0x10f: {  	v7 =	vadd.f32 v7, v22;
	v22 =	vadd.f32 v63, v34  }
0x110: {  	v10 =	vmul.f32 v57, v24;
	v9 =	vmul.f32 v57, v46;
	v57 =	vadd.f32 v8, v6  }
0x111: {  	v27 =	vmovc v25;
	v62 =	vmin.f32 v60, v7;
	v6 =	vadd.f32 v7, v0;
	v7 =	vmin.f32 v18, v22;
	v18 =	vld [tilespmem:$0x1FF70]  }
0x112: {  	v25 =	vmovc v34;
	v34 =	vmovc v24;
	v24 =	vmov v46;
	v60 =	vadd.f32 v11, v10;
	v10 =	vadd.f32 v13, v29  }
0x113: {  	v2 =	vmul.f32 v2, v30;
	v8 =	vadd.f32 v5, v16;
	v5 =	vmin.f32 v15, v61  }
0x114: {  	v32 =	vmovc v36;
	v46 =	vmov v24;
	v12 =	vadd.f32 v14, v12;
	v14 =	vld [tilespmem:$0x1FFD0];
	v61 =	vadd.f32 v10, v19  }
0x115: {  	p0 =	slt.u32 s3, $0xE;
	v13 =	vld [tilespmem:$0x1FF80];
	v24 =	vmovc v34;
	v34 =	vmovc v25;
	v25 =	vmov v27;
	v0 =	vadd.f32 v4, v9;
	v4 =	vadd.f32 v8, v2  }
.Ltmp3:
0x116: {  	v27 =	vld [tilespmem:$0x1FE30];
	v19 =	vmovc v28;
	v28 =	vmovc v31;
	v31 =	vmov v35;
	v8 =	vadd.f32 v12, v17;
	v16 =	vadd.f32 v52, v18;
	(pc) =	sbr.rel @p0 .LBB2_9-.Ltmp3, $4  }
0x117: {  	v35 =	vmovc v39;
	v39 =	vmovc v45;
	v45 =	vld [tilespmem:$0x1FE50];
	v17 =	vlaneseq.u32;
	v6 =	vmin.f32 v20, v6;
	v20 =	vmov v47  }
0x118: {  	v22 =	vld [tilespmem:$0x1FFE0];
	v47 =	vmovc v43;
	v59 =	vmin.f32 v59, v8;
	v8 =	vadd.f32 v8, v18;
	v9 =	vmin.f32 v21, v16  }
0x119: {  	v21 =	vmovc v26;
	v26 =	vmovc v33;
	v33 =	vmov v40;
	v40 =	vmov v41;
	v41 =	vmov v42;
	v42 =	vld [tilespmem:$0x1FE40]  }
0x11a: {  	s3 =	sadd.s32 $0x2, s3;
	v43 =	vmovc v48;
	v16 =	vld [tilespmem:$0x1FFF0];
	v2 =	vmin.f32 v7, v9;
	v7 =	vadd.f32 v0, v13;
	v9 =	vadd.f32 v4, v34  }
0x11b: {  	v10 =	vld [tilespmem:$0x1FF50]  }
0x11c: {  	v11 =	vld [tilespmem:$0x1FF10];
	_ =	sdelay $0x1  }
0x11d: {  	v1 =	vmin.f32 v1, v3;
	v3 =	vld [tilespmem:$0x1FF60];
	_ =	sdelay $0x2  }
0x11e: {  	v10 =	vadd.f32 v57, v10;
	v11 =	vadd.f32 v61, v11;
	_ =	sdelay $0x1  }
0x11f: {  	v3 =	vadd.f32 v60, v3;
	v9 =	vmin.f32 v11, v9;
	v8 =	vmin.f32 v10, v8  }
0x120: {  	v1 =	vmin.f32 v6, v1;
	v6 =	vmin.f32 v9, v8  }
0x121: {  	v3 =	vmin.f32 v7, v3;
	v1 =	vmin.f32 v6, v1  }
0x122: {  	v3 =	vmin.f32 v3, v5;
	v5 =	vperm.xlane v1, v14;
	_ =	sdelay $0x1  }
0x123: {  	v2 =	vmin.f32 v2, v3;
	v1 =	vmin.f32 v1, v5  }
0x124: {  	v3 =	vperm.xlane v2, v14;
	v5 =	vperm.xlane v1, v22  }
0x125: {  	v6 =	vld [tilespmem:$0x1FFC0]  }
0x126: {  	v2 =	vmin.f32 v2, v3;
	v1 =	vmin.f32 v1, v5  }
0x127: {  	v3 =	vperm.xlane v2, v22;
	v5 =	vperm.xlane v1, v16;
	_ =	sdelay $0x1  }
0x128: {  	v2 =	vmin.f32 v2, v3;
	v1 =	vmin.f32 v1, v5  }
0x129: {  	v3 =	vperm.xlane v2, v16;
	v5 =	vperm.xlane v1, v6;
	_ =	sdelay $0x1  }
0x12a: {  	v2 =	vmin.f32 v2, v3;
	v3 =	vmin.f32 v45, v58;
	v1 =	vmin.f32 v1, v5  }
0x12b: {  	v45 =	vmin.f32 v3, v0;
	v0 =	vmin.f32 v53, v1;
	v1 =	vld [tilespmem:$0x1FE80];
	_ =	sdelay $0x1  }
0x12c: {  	v4 =	vmin.f32 v27, v4  }
0x12d: {  	v27 =	vmin.f32 v4, v63;
	v4 =	vperm.xlane v2, v6  }
0x12e: {  	vm0 =	veq.s32 v51, v17  }
0x12f: {  	v5 =	vld [tilespmem:s0+$0x10000];
	v0 =	vsel vm0, v0, v53;
	vm1 =	veq.s32 v1, v17;
	v1 =	vmin.f32 v2, v4  }
0x130: {  	v2 =	vld [tilespmem:$0x1FE60];
	v1 =	vmin.f32 v0, v1  }
0x131: {  	s31 =	sadd.s32 $0x1, s31;
	v0 =	vsel vm1, v1, v0;
	v1 =	vld [tilespmem:$0x1FE70]  }
0x132: {  	p0 =	sne.s32 s31, $0x200  }
.Ltmp4:
0x133: {  	_ = 	snop;
	(pc) =	sbr.rel @p0 .LBB2_8-.Ltmp4, $4  }
0x134: {  	v3 =	vmin.f32 v42, v55  }
0x135: {  	v12 =	vld [tilespmem:$0x1FF90];
	v42 =	vmin.f32 v3, v50;
	v3 =	vmin.f32 v56, v37;
	v4 =	vmin.f32 v62, v60  }
0x136: {  	v10 =	vld [tilespmem:$0x1FFA0];
	v0 =	vmin.f32 v5, v0;
	v2 =	vmin.f32 v2, v57;
	v1 =	vmin.f32 v1, v61  }
0x137: {  	v11 =	vld [tilespmem:$0x1FFB0];
	v5 =	vmin.f32 v59, v52;
	[tilespmem:s0+$0x10000] =	vst v0;
	v2 =	vmin.f32 v2, v54;
	v1 =	vmin.f32 v1, v49  }
0x138: {  	v0 =	vld [tilespmem:s9+$0xC000];
	_ =	sdelay $0x4  }
0x139: {  	v0 =	vadd.f32 v0, v1;
	_ =	sdelay $0x1  }
0x13a: {  	[tilespmem:$0x12000] =	vst v0  }
0x13b: {  	v0 =	vld [tilespmem:s10+$0xC000];
	_ =	sdelay $0x4  }
0x13c: {  	v0 =	vadd.f32 v0, v27;
	_ =	sdelay $0x1  }
0x13d: {  	[tilespmem:$0x12010] =	vst v0  }
0x13e: {  	v0 =	vld [tilespmem:s11+$0xC000];
	_ =	sdelay $0x4  }
0x13f: {  	v0 =	vadd.f32 v0, v2;
	_ =	sdelay $0x1  }
0x140: {  	[tilespmem:$0x12020] =	vst v0  }
0x141: {  	v0 =	vld [tilespmem:s13+$0xC000];
	_ =	sdelay $0x4  }
0x142: {  	v0 =	vadd.f32 v0, v5;
	_ =	sdelay $0x1  }
0x143: {  	[tilespmem:$0x12030] =	vst v0  }
0x144: {  	v0 =	vld [tilespmem:s14+$0xC000];
	_ =	sdelay $0x4  }
0x145: {  	v0 =	vadd.f32 v0, v45;
	_ =	sdelay $0x1  }
0x146: {  	[tilespmem:$0x12040] =	vst v0  }
0x147: {  	v0 =	vld [tilespmem:s12+$0xC000];
	_ =	sdelay $0x4  }
0x148: {  	v0 =	vadd.f32 v0, v4;
	_ =	sdelay $0x1  }
0x149: {  	[tilespmem:$0x12050] =	vst v0  }
0x14a: {  	v0 =	vld [tilespmem:s15+$0xC000];
	_ =	sdelay $0x4  }
0x14b: {  	v0 =	vadd.f32 v0, v42;
	_ =	sdelay $0x1  }
0x14c: {  	[tilespmem:$0x12060] =	vst v0  }
0x14d: {  	v0 =	vld [tilespmem:s16+$0xC000];
	_ =	sdelay $0x4  }
0x14e: {  	v0 =	vadd.f32 v0, v3;
	_ =	sdelay $0x1  }
0x14f: {  	[tilespmem:$0x12070] =	vst v0  }
0x150: {  	v0 =	vld [tilespmem:s17+$0x0]  }
0x151: {  	v1 =	vld [tilespmem:s17+$0x2000]  }
0x152: {  	v2 =	vld [tilespmem:s17+$0x4000]  }
0x153: {  	v3 =	vld [tilespmem:s17+$0xC000]  }
0x154: {  	v4 =	vld [tilespmem:s18+$0x2000]  }
0x155: {  	v5 =	vld [tilespmem:s18+$0x4000]  }
0x156: {  	v6 =	vld [tilespmem:s19+$0x0]  }
0x157: {  	v7 =	vld [tilespmem:s19+$0x2000]  }
0x158: {  	v8 =	vld [tilespmem:s19+$0x4000]  }
0x159: {  	v9 =	vld [tilespmem:s20+$0x0]  }
0x15a: {  	v17 =	vld [tilespmem:s20+$0x2000]  }
0x15b: {  	v18 =	vld [tilespmem:s20+$0x4000]  }
0x15c: {  	v19 =	vld [tilespmem:s21+$0x0]  }
0x15d: {  	v20 =	vld [tilespmem:s21+$0x2000]  }
0x15e: {  	v21 =	vld [tilespmem:s21+$0x4000]  }
0x15f: {  	v23 =	vld [tilespmem:s22+$0x0]  }
0x160: {  	v13 =	vld [tilespmem:s21+$0xC000]  }
0x161: {  	v24 =	vld [tilespmem:s28+$0xC000]  }
0x162: {  	[tilespmem:$0x1FD70] =	vst v3;
	v3 =	vld [tilespmem:s18+$0x0]  }
0x163: {  	v10 =	vmul.f32 $-2.000000000e+00, v0;
	v0 =	vld [tilespmem:s22+$0x2000]  }
0x164: {  	v12 =	vmul.f32 $-2.000000000e+00, v5;
	v5 =	vld [tilespmem:s28+$0x0]  }
0x165: {  	v11 =	vmul.f32 $-2.000000000e+00, v1;
	v31 =	vmul.f32 $-2.000000000e+00, v6;
	v6 =	vld [tilespmem:s28+$0x2000]  }
0x166: {  	v1 =	vmul.f32 $-2.000000000e+00, v2;
	v32 =	vmul.f32 $-2.000000000e+00, v7;
	v7 =	vld [tilespmem:s28+$0x4000]  }
0x167: {  	v39 =	vmul.f32 $-2.000000000e+00, v18;
	v18 =	vld [tilespmem:s20+$0xC000]  }
0x168: {  	v2 =	vmul.f32 $-2.000000000e+00, v4;
	[tilespmem:$0x1FD80] =	vst v1;
	v1 =	vld [tilespmem:s22+$0x4000]  }
0x169: {  	v4 =	vmul.f32 $-2.000000000e+00, v8;
	v25 =	vmul.f32 $-2.000000000e+00, v0;
	v0 =	vld [tilespmem:s19+$0xC000]  }
0x16a: {  	[tilespmem:$0x1FD90] =	vst v2;
	v2 =	vld [tilespmem:s26+$0x0]  }
0x16b: {  	[tilespmem:$0x1FDA0] =	vst v4;
	v4 =	vld [tilespmem:s26+$0x4000]  }
0x16c: {  	v46 =	vmul.f32 $-2.000000000e+00, v21;
	v21 =	vmul.f32 $-2.000000000e+00, v23;
	[tilespmem:$0x1FDE0] =	vst v13;
	v23 =	vmov v11;
	v11 =	vld [tilespmem:s26+$0xC000]  }
0x16d: {  	v27 =	vimm.f32 $+Inf;
	v35 =	vmul.f32 $-2.000000000e+00, v9;
	[tilespmem:$0x1FE20] =	vst v24;
	v28 =	vmul.f32 $-2.000000000e+00, v3;
	v3 =	vld [tilespmem:s26+$0x2000]  }
0x16e: {  	v45 =	vimm.f32 $+Inf;
	v38 =	vmul.f32 $-2.000000000e+00, v17;
	v44 =	vmul.f32 $-2.000000000e+00, v19;
	[tilespmem:$0x1FDB0] =	vst v0;
	v0 =	vld [tilespmem:s22+$0xC000]  }
0x16f: {  	v42 =	vimm.f32 $+Inf;
	v20 =	vmul.f32 $-2.000000000e+00, v20;
	[tilespmem:$0x1FDF0] =	vst v12;
	v40 =	vmul.f32 $-2.000000000e+00, v5  }
0x170: {  	v17 =	vlaneseq.u32;
	v19 =	vmovc v10;
	v47 =	vmul.f32 $-2.000000000e+00, v6;
	[tilespmem:$0x1FDD0] =	vst v18;
	v10 =	vmul.f32 $-2.000000000e+00, v1  }
0x171: {  	v43 =	vmul.f32 $-2.000000000e+00, v7;
	v5 =	vimm.f32 $+Inf;
	v26 =	vmul.f32 $-2.000000000e+00, v2;
	[tilespmem:$0x1FE10] =	vst v11  }
0x172: {  	v37 =	vmul.f32 $-2.000000000e+00, v4;
	v4 =	vimm.f32 $+Inf;
	v2 =	vimm.f32 $+Inf;
	[tilespmem:$0x1FE00] =	vst v10  }
0x173: {  	s30 =	simm.s32 $0x0;
	s31 =	simm.s32 $0x0;
	v34 =	vld [tilespmem:s18+$0xC000];
	v1 =	vimm.f32 $+Inf;
	v33 =	vmul.f32 $-2.000000000e+00, v3;
	v3 =	vimm.f32 $+Inf;
	[tilespmem:$0x1FDC0] =	vst v0  }
.LBB2_12:
0x174: {  	s0 =	sshll.u32 s31, $0x4  }
0x175: {  	v53 =	vld [tilespmem:s0+$0x6000]  }
0x176: {  	v15 =	vld [tilespmem:s0+$0xE000]  }
0x177: {  	v29 =	vld [tilespmem:s0+$0x8000]  }
0x178: {  	v55 =	vld [tilespmem:s0+$0xA000]  }
0x179: {  	s3 =	simm.s32 $0x1  }
0x17a: {  	[tilespmem:$0x1FD40] =	vst v3;
	v41 =	vmov s3  }
0x17b: {  	[tilespmem:$0x1FCC0] =	vst v2;
	v0 =	vperm.xlane v53, v41  }
0x17c: {  	[tilespmem:$0x1FCD0] =	vst v1;
	v1 =	vperm.xlane v15, v41;
	v2 =	vperm.xlane v29, v41  }
0x17d: {  	[tilespmem:$0x1FD50] =	vst v4;
	v30 =	vld [tilespmem:$0x1FD90];
	v60 =	vperm.xlane v55, v41;
	v3 =	vmul.f32 v0, v35  }
0x17e: {  	[tilespmem:$0x1FD60] =	vst v5;
	v4 =	vmul.f32 v0, v31;
	v5 =	vmul.f32 v2, v38  }
0x17f: {  	v6 =	vmul.f32 v2, v32;
	v7 =	vmul.f32 v2, v23  }
0x180: {  	v8 =	vmul.f32 v0, v19;
	v9 =	vmul.f32 v0, v26;
	v3 =	vadd.f32 v1, v3  }
0x181: {  	v48 =	vmul.f32 v0, v21;
	v49 =	vmul.f32 v2, v20;
	v4 =	vadd.f32 v1, v4  }
0x182: {  	v50 =	vmul.f32 v2, v30;
	v3 =	vadd.f32 v3, v5;
	v5 =	vmul.f32 v0, v40  }
0x183: {  	v4 =	vadd.f32 v4, v6;
	v6 =	vadd.f32 v1, v8;
	v8 =	vmul.f32 v0, v28  }
0x184: {  	v9 =	vadd.f32 v1, v9;
	v48 =	vadd.f32 v1, v48;
	v0 =	vmul.f32 v0, v44  }
0x185: {  	v52 =	vmul.f32 v2, v25;
	v5 =	vadd.f32 v1, v5;
	v8 =	vadd.f32 v1, v8  }
0x186: {  	v0 =	vadd.f32 v1, v0;
	v1 =	vmul.f32 v2, v47;
	v2 =	vmul.f32 v2, v33  }
0x187: {  	v51 =	vmov s30  }
0x188: {  	[tilespmem:$0x1FD00] =	vst v15;
	v61 =	vmul.f32 v60, v43;
	v2 =	vadd.f32 v9, v2;
	v9 =	vperm.xlane v15, v51;
	v15 =	vld [tilespmem:$0x1FD80]  }
0x189: {  	v6 =	vadd.f32 v6, v7;
	v7 =	vperm.xlane v53, v51;
	v0 =	vadd.f32 v0, v49  }
0x18a: {  	[tilespmem:$0x1FD20] =	vst v29;
	v62 =	vmul.f32 v60, v37;
	v1 =	vadd.f32 v5, v1;
	v5 =	vmul.f32 v60, v39  }
0x18b: {  	v63 =	vmul.f32 v7, v19;
	[tilespmem:$0x1FD30] =	vst v0;
	v0 =	vperm.xlane v29, v51;
	v29 =	vld [tilespmem:$0x1FDA0]  }
0x18c: {  	v48 =	vadd.f32 v48, v52;
	v49 =	vmul.f32 v7, v31;
	v36 =	vmul.f32 v7, v35  }
0x18d: {  	v8 =	vadd.f32 v8, v50;
	v57 =	vmul.f32 v7, v28;
	v54 =	vmul.f32 v60, v15  }
0x18e: {  	[tilespmem:$0x1FCE0] =	vst v41;
	v41 =	vadd.f32 v1, v61;
	v1 =	vperm.xlane v55, v51;
	v50 =	vadd.f32 v2, v62  }
0x18f: {  	v58 =	vadd.f32 v9, v49;
	v49 =	vadd.f32 v6, v54;
	v6 =	vmul.f32 v7, v44  }
0x190: {  	v2 =	vadd.f32 v9, v63;
	v52 =	vadd.f32 v3, v5;
	v54 =	vmul.f32 v60, v29  }
0x191: {  	[tilespmem:$0x1FD10] =	vst v55;
	v3 =	vadd.f32 v9, v36;
	v55 =	vmul.f32 v0, v20;
	v6 =	vadd.f32 v9, v6  }
0x192: {  	[tilespmem:$0x1FCF0] =	vst v53;
	v5 =	vmul.f32 v7, v26;
	v53 =	vadd.f32 v9, v57;
	v54 =	vadd.f32 v4, v54  }
0x193: {  	v4 =	vadd.f32 v6, v55;
	v6 =	vmul.f32 v7, v40;
	v7 =	vmul.f32 v7, v21  }
0x194: {  	v36 =	vmul.f32 v0, v32;
	v63 =	vmul.f32 v1, v46;
	v5 =	vadd.f32 v9, v5  }
0x195: {  	v6 =	vadd.f32 v9, v6;
	v7 =	vadd.f32 v9, v7;
	v9 =	vmul.f32 v0, v25  }
0x196: {  	v56 =	vmul.f32 v0, v47;
	v57 =	vadd.f32 v58, v36  }
0x197: {  	v58 =	vadd.f32 v4, v63;
	v4 =	vmul.f32 v60, v12;
	v7 =	vadd.f32 v7, v9;
	v9 =	vld [tilespmem:$0x1FD70]  }
0x198: {  	v61 =	vmul.f32 v0, v33;
	v59 =	vmul.f32 v1, v43  }
0x199: {  	v6 =	vadd.f32 v6, v56;
	v63 =	vadd.f32 v8, v4;
	v4 =	vmul.f32 v1, v10  }
0x19a: {  	v5 =	vadd.f32 v5, v61  }
0x19b: {  	v36 =	vmul.f32 v1, v37;
	v61 =	vadd.f32 v6, v59;
	v7 =	vadd.f32 v7, v4;
	v6 =	vld [tilespmem:$0x1FDB0]  }
0x19c: {  	v4 =	vadd.f32 v63, v34;
	v9 =	vadd.f32 v49, v9  }
0x19d: {  	v55 =	vadd.f32 v5, v36;
	v8 =	vmul.f32 v0, v30  }
0x19e: {  	v5 =	vmul.f32 v1, v29;
	v29 =	vmin.f32 v9, v4;
	v4 =	vmul.f32 v0, v38  }
0x19f: {  	v8 =	vadd.f32 v53, v8;
	v0 =	vmul.f32 v0, v23  }
0x1a0: {  	v36 =	vmul.f32 v1, v12;
	v53 =	vadd.f32 v54, v6;
	v3 =	vadd.f32 v3, v4  }
0x1a1: {  	v4 =	vadd.f32 v52, v18;
	v9 =	vadd.f32 v2, v0;
	v2 =	vmul.f32 v1, v39;
	_ =	sdelay $0x1  }
0x1a2: {  	v53 =	vmin.f32 v53, v4;
	v4 =	vadd.f32 v8, v36;
	v8 =	vadd.f32 v3, v2;
	v2 =	vld [tilespmem:$0x1FD40];
	_ =	sdelay $0x4  }
0x1a3: {  	v62 =	vadd.f32 v41, v24;
	v56 =	vmin.f32 v2, v61;
	v2 =	vld [tilespmem:$0x1FD50]  }
0x1a4: {  	v57 =	vadd.f32 v57, v5;
	v5 =	vadd.f32 v50, v11;
	_ =	sdelay $0x1  }
0x1a5: {  	v5 =	vmin.f32 v5, v62;
	v62 =	vmul.f32 v60, v10;
	v10 =	vld [tilespmem:$0x1FD60]  }
0x1a6: {  	v0 =	vld [tilespmem:$0x1FD30]  }
0x1a7: {  	v59 =	vmul.f32 v60, v46;
	v60 =	vadd.f32 v48, v62;
	v62 =	vmin.f32 v2, v7;
	v2 =	vld [tilespmem:$0x1FDC0];
	_ =	sdelay $0x2  }
0x1a8: {  	v48 =	vmul.f32 v1, v15;
	v6 =	vadd.f32 v58, v13;
	v1 =	vadd.f32 v55, v11  }
0x1a9: {  	v3 =	vadd.f32 v61, v24;
	v0 =	vadd.f32 v0, v59  }
0x1aa: {  	v59 =	vmin.f32 v10, v8;
	v8 =	vadd.f32 v8, v18;
	v7 =	vadd.f32 v7, v2  }
0x1ab: {  	v61 =	vadd.f32 v9, v48;
	v9 =	vadd.f32 v4, v34;
	v2 =	vmin.f32 v29, v53  }
0x1ac: {  	s3 =	simm.s32 $0x2;
	v53 =	vimm.f32 $+Inf;
	v6 =	vmin.f32 v6, v7;
	v7 =	vadd.f32 v0, v13  }
.LBB2_13:
0x1ad: {  	v24 =	vld [tilespmem:$0x1FDC0]  }
0x1ae: {  	v18 =	vld [tilespmem:$0x1FD70]  }
0x1af: {  	v15 =	vld [tilespmem:$0x1FCF0]  }
0x1b0: {  	v29 =	vld [tilespmem:$0x1FD00]  }
0x1b1: {  	v30 =	vld [tilespmem:$0x1FD20]  }
0x1b2: {  	v4 =	vmin.f32 v27, v4;
	v27 =	vld [tilespmem:$0x1FDB0]  }
0x1b3: {  	s5 =	sadd.s32 $0x1, s3  }
0x1b4: {  	v1 =	vmin.f32 v1, v3;
	v12 =	vmov s5  }
0x1b5: {  	v1 =	vmin.f32 v6, v1;
	v11 =	vadd.f32 v60, v24;
	v4 =	vmin.f32 v4, v63  }
0x1b6: {  	v13 =	vadd.f32 v61, v18;
	v63 =	vperm.xlane v29, v12;
	[tilespmem:$0x1FC90] =	vst v4;
	v4 =	vperm.xlane v15, v12  }
0x1b7: {  	v3 =	vperm.xlane v30, v12;
	v7 =	vmin.f32 v7, v11;
	v10 =	vadd.f32 v57, v27  }
0x1b8: {  	v9 =	vmin.f32 v13, v9;
	v11 =	vmul.f32 v4, v35;
	v5 =	vmin.f32 v7, v5  }
0x1b9: {  	v6 =	vmul.f32 v4, v31;
	v2 =	vmin.f32 v2, v5;
	v7 =	vmin.f32 v10, v8  }
0x1ba: {  	v5 =	vadd.f32 v63, v11;
	v8 =	vmul.f32 v3, v38;
	v7 =	vmin.f32 v9, v7  }
0x1bb: {  	v6 =	vadd.f32 v63, v6;
	v9 =	vmul.f32 v3, v32;
	v1 =	vmin.f32 v7, v1  }
0x1bc: {  	v5 =	vadd.f32 v5, v8;
	v8 =	vperm.xlane v1, v14  }
0x1bd: {  	v7 =	vmin.f32 v45, v58;
	v6 =	vadd.f32 v6, v9;
	v9 =	vperm.xlane v2, v14  }
0x1be: {  	v0 =	vmin.f32 v7, v0;
	v1 =	vmin.f32 v1, v8  }
0x1bf: {  	v14 =	vld [tilespmem:$0x1FCD0];
	v2 =	vmin.f32 v2, v9;
	v9 =	vmul.f32 v4, v26;
	v8 =	vperm.xlane v1, v22  }
0x1c0: {  	[tilespmem:$0x1FCB0] =	vst v0;
	v0 =	vld [tilespmem:$0x1FCE0]  }
0x1c1: {  	vm1 =	veq.s32 v51, v17;
	v1 =	vmin.f32 v1, v8;
	v8 =	vadd.f32 v63, v9;
	v9 =	vld [tilespmem:$0x1FCC0]  }
0x1c2: {  	s4 =	smov.u32 s3;
	v59 =	vmin.f32 v59, v52;
	v60 =	vmin.f32 v62, v60;
	v62 =	vmul.f32 v3, v20  }
0x1c3: {  	v51 =	vmov s4;
	v10 =	vmul.f32 v3, v23;
	v11 =	vperm.xlane v2, v22;
	v22 =	vld [tilespmem:$0x1FFC0]  }
0x1c4: {  	v45 =	vmovc v12;
	v12 =	vmin.f32 v42, v55;
	v42 =	vmul.f32 v3, v25;
	v7 =	vmul.f32 v4, v40  }
0x1c5: {  	v36 =	vmovc v32;
	v2 =	vmin.f32 v2, v11;
	v32 =	vmin.f32 v14, v61;
	v14 =	vld [tilespmem:$0x1FD10];
	v13 =	vperm.xlane v1, v16  }
0x1c6: {  	vm0 =	veq.s32 v0, v17;
	v0 =	vmul.f32 v4, v19;
	v9 =	vmin.f32 v9, v57  }
0x1c7: {  	v1 =	vmin.f32 v1, v13;
	v13 =	vmul.f32 v4, v21;
	v9 =	vmin.f32 v9, v54  }
0x1c8: {  	v0 =	vadd.f32 v63, v0;
	v11 =	vperm.xlane v1, v22;
	[tilespmem:$0x1FCC0] =	vst v9;
	v9 =	vmin.f32 v12, v50  }
0x1c9: {  	v7 =	vadd.f32 v63, v7;
	v13 =	vadd.f32 v63, v13;
	[tilespmem:$0x1FCA0] =	vst v9;
	v9 =	vperm.xlane v2, v16;
	v16 =	vld [tilespmem:$0x1FD90]  }
0x1ca: {  	v57 =	vperm.xlane v14, v45;
	v0 =	vadd.f32 v0, v10;
	v1 =	vmin.f32 v1, v11  }
0x1cb: {  	v11 =	vmin.f32 v32, v49;
	v2 =	vmin.f32 v2, v9;
	v9 =	vmul.f32 v4, v28  }
0x1cc: {  	[tilespmem:$0x1FCD0] =	vst v11;
	v1 =	vmin.f32 v53, v1;
	v4 =	vmul.f32 v4, v44;
	v11 =	vperm.xlane v2, v22  }
0x1cd: {  	v10 =	vperm.xlane v29, v51;
	v1 =	vsel vm1, v1, v53;
	v9 =	vadd.f32 v63, v9  }
0x1ce: {  	v22 =	vld [tilespmem:$0x1FD80];
	v4 =	vadd.f32 v63, v4;
	v48 =	vmul.f32 v3, v16;
	v2 =	vmin.f32 v2, v11  }
0x1cf: {  	v12 =	vmin.f32 v56, v41;
	v11 =	vmul.f32 v3, v47;
	v2 =	vmin.f32 v1, v2  }
0x1d0: {  	v4 =	vadd.f32 v4, v62;
	v9 =	vadd.f32 v9, v48;
	v53 =	vsel vm0, v2, v1  }
0x1d1: {  	v1 =	vmul.f32 v3, v33;
	v2 =	vadd.f32 v7, v11;
	v3 =	vmul.f32 v57, v39  }
0x1d2: {  	v7 =	vperm.xlane v15, v51;
	v11 =	vadd.f32 v13, v42;
	v13 =	vmul.f32 v57, v37  }
0x1d3: {  	v58 =	vmul.f32 v57, v22;
	v1 =	vadd.f32 v8, v1;
	v8 =	vmul.f32 v57, v43  }
0x1d4: {  	[tilespmem:$0x1FCE0] =	vst v45;
	v32 =	vld [tilespmem:$0x1FE20];
	v56 =	vmul.f32 v7, v19;
	v45 =	vmul.f32 v7, v28;
	v52 =	vadd.f32 v5, v3  }
0x1d5: {  	v42 =	vld [tilespmem:$0x1FDA0];
	v3 =	vperm.xlane v30, v51;
	v49 =	vadd.f32 v0, v58;
	v0 =	vmul.f32 v7, v44  }
0x1d6: {  	v41 =	vadd.f32 v2, v8;
	v2 =	vperm.xlane v14, v51;
	v8 =	vmul.f32 v7, v31  }
0x1d7: {  	v50 =	vadd.f32 v1, v13;
	v13 =	vadd.f32 v10, v56;
	v1 =	vmul.f32 v7, v35  }
0x1d8: {  	v5 =	vadd.f32 v10, v45;
	v16 =	vmul.f32 v3, v16;
	v48 =	vmul.f32 v3, v20  }
0x1d9: {  	v62 =	vmul.f32 v3, v36;
	v18 =	vadd.f32 v49, v18;
	v0 =	vadd.f32 v10, v0  }
0x1da: {  	v55 =	vmul.f32 v57, v42;
	v61 =	vadd.f32 v41, v32;
	v8 =	vadd.f32 v10, v8  }
0x1db: {  	v14 =	vadd.f32 v10, v1;
	v1 =	vmul.f32 v7, v26;
	v56 =	vmul.f32 v2, v43  }
0x1dc: {  	v63 =	vmul.f32 v2, v46;
	v0 =	vadd.f32 v0, v48;
	v48 =	vmul.f32 v7, v40  }
0x1dd: {  	v29 =	vld [tilespmem:$0x1FE10];
	v54 =	vadd.f32 v6, v55;
	v6 =	vmul.f32 v2, v42;
	v42 =	vmul.f32 v3, v33  }
0x1de: {  	v30 =	vld [tilespmem:$0x1FDF0];
	v7 =	vmul.f32 v7, v21;
	v8 =	vadd.f32 v8, v62;
	v1 =	vadd.f32 v10, v1  }
0x1df: {  	v62 =	vmul.f32 v3, v47;
	v55 =	vadd.f32 v10, v48;
	v58 =	vadd.f32 v0, v63  }
0x1e0: {  	v7 =	vadd.f32 v10, v7;
	v10 =	vmul.f32 v3, v25;
	v1 =	vadd.f32 v1, v42;
	v48 =	vmovc v43  }
0x1e1: {  	v43 =	vmovc v47;
	v47 =	vmovc v20;
	v20 =	vmul.f32 v2, v37;
	v42 =	vmov v40;
	v40 =	vmov v37  }
0x1e2: {  	v37 =	vmovc v33;
	v33 =	vmovc v26;
	v26 =	vmov v21;
	v21 =	vadd.f32 v54, v27;
	v0 =	vadd.f32 v55, v62;
	v27 =	vld [tilespmem:$0x1FE00]  }
0x1e3: {  	v15 =	vadd.f32 v50, v29;
	v17 =	vmul.f32 v2, v39;
	v45 =	vmovc v39;
	v62 =	vmul.f32 v57, v30  }
0x1e4: {  	v39 =	vmovc v35;
	v35 =	vmovc v31;
	v31 =	vmov v28;
	v7 =	vadd.f32 v7, v10;
	v0 =	vadd.f32 v0, v56  }
0x1e5: {  	v28 =	vmovc v19;
	v19 =	vmul.f32 v2, v22;
	v55 =	vadd.f32 v1, v20;
	v1 =	vld [tilespmem:$0x1FDE0];
	v63 =	vadd.f32 v9, v62  }
0x1e6: {  	v9 =	vmul.f32 v57, v46;
	v56 =	vmin.f32 v12, v0;
	v12 =	vmul.f32 v3, v38  }
0x1e7: {  	v22 =	vmul.f32 v2, v27;
	v10 =	vmul.f32 v57, v27;
	v57 =	vadd.f32 v8, v6  }
0x1e8: {  	v8 =	vadd.f32 v5, v16;
	v12 =	vadd.f32 v14, v12  }
0x1e9: {  	v7 =	vadd.f32 v7, v22;
	v22 =	vadd.f32 v63, v34  }
0x1ea: {  	v2 =	vmul.f32 v2, v30;
	v20 =	vadd.f32 v58, v1;
	v1 =	vadd.f32 v55, v29  }
0x1eb: {  	v62 =	vmin.f32 v60, v7;
	v6 =	vadd.f32 v7, v24;
	v7 =	vmin.f32 v18, v22;
	v18 =	vld [tilespmem:$0x1FDD0]  }
0x1ec: {  	v46 =	vmovc v46;
	v29 =	vmul.f32 v3, v23;
	v3 =	vadd.f32 v0, v32;
	v0 =	vadd.f32 v4, v9  }
0x1ed: {  	v27 =	vmovc v25;
	v25 =	vmov v34;
	v4 =	vadd.f32 v8, v2;
	v8 =	vadd.f32 v12, v17  }
0x1ee: {  	v14 =	vld [tilespmem:$0x1FFD0];
	v60 =	vadd.f32 v11, v10;
	v10 =	vadd.f32 v13, v29  }
0x1ef: {  	p0 =	slt.u32 s3, $0xE;
	v5 =	vmin.f32 v15, v61;
	v46 =	vmovc v46;
	v32 =	vmovc v36;
	v34 =	vmov v25;
	v17 =	vlaneseq.u32;
	v13 =	vld [tilespmem:$0x1FDE0]  }
.Ltmp5:
0x1f0: {  	v25 =	vmovc v27;
	v27 =	vld [tilespmem:$0x1FC90];
	v59 =	vmin.f32 v59, v8;
	v61 =	vadd.f32 v10, v19;
	v16 =	vadd.f32 v52, v18;
	(pc) =	sbr.rel @p0 .LBB2_13-.Ltmp5, $4  }
0x1f1: {  	v22 =	vld [tilespmem:$0x1FFE0];
	v19 =	vmovc v28;
	v28 =	vmovc v31;
	v31 =	vmov v35;
	v35 =	vmov v39;
	v6 =	vmin.f32 v20, v6  }
0x1f2: {  	v39 =	vmovc v45;
	v45 =	vld [tilespmem:$0x1FCB0];
	v20 =	vmovc v47;
	v47 =	vmov v43;
	v8 =	vadd.f32 v8, v18;
	v9 =	vmin.f32 v21, v16  }
0x1f3: {  	v21 =	vmovc v26;
	v26 =	vmovc v33;
	v33 =	vmov v37;
	v37 =	vmov v40;
	v40 =	vmov v42;
	v42 =	vld [tilespmem:$0x1FCA0]  }
0x1f4: {  	s3 =	sadd.s32 $0x2, s3;
	v43 =	vmovc v48;
	v16 =	vld [tilespmem:$0x1FFF0];
	v2 =	vmin.f32 v7, v9;
	v7 =	vadd.f32 v0, v13;
	v9 =	vadd.f32 v4, v34  }
0x1f5: {  	v10 =	vld [tilespmem:$0x1FDB0]  }
0x1f6: {  	v11 =	vld [tilespmem:$0x1FD70];
	_ =	sdelay $0x1  }
0x1f7: {  	v1 =	vmin.f32 v1, v3;
	v3 =	vld [tilespmem:$0x1FDC0];
	_ =	sdelay $0x2  }
0x1f8: {  	v10 =	vadd.f32 v57, v10;
	v11 =	vadd.f32 v61, v11;
	_ =	sdelay $0x1  }
0x1f9: {  	v3 =	vadd.f32 v60, v3;
	v9 =	vmin.f32 v11, v9;
	v8 =	vmin.f32 v10, v8  }
0x1fa: {  	v1 =	vmin.f32 v6, v1;
	v6 =	vmin.f32 v9, v8  }
0x1fb: {  	v3 =	vmin.f32 v7, v3;
	v1 =	vmin.f32 v6, v1  }
0x1fc: {  	v3 =	vmin.f32 v3, v5;
	v5 =	vperm.xlane v1, v14;
	_ =	sdelay $0x1  }
0x1fd: {  	v2 =	vmin.f32 v2, v3;
	v1 =	vmin.f32 v1, v5  }
0x1fe: {  	v3 =	vperm.xlane v2, v14;
	v5 =	vperm.xlane v1, v22  }
0x1ff: {  	v6 =	vld [tilespmem:$0x1FFC0]  }
0x200: {  	v2 =	vmin.f32 v2, v3;
	v1 =	vmin.f32 v1, v5  }
0x201: {  	v3 =	vperm.xlane v2, v22;
	v5 =	vperm.xlane v1, v16;
	_ =	sdelay $0x1  }
0x202: {  	v2 =	vmin.f32 v2, v3;
	v1 =	vmin.f32 v1, v5  }
0x203: {  	v3 =	vperm.xlane v2, v16;
	v5 =	vperm.xlane v1, v6;
	_ =	sdelay $0x1  }
0x204: {  	v2 =	vmin.f32 v2, v3;
	v3 =	vmin.f32 v45, v58;
	v1 =	vmin.f32 v1, v5  }
0x205: {  	v45 =	vmin.f32 v3, v0;
	v0 =	vmin.f32 v53, v1;
	v1 =	vld [tilespmem:$0x1FCE0];
	_ =	sdelay $0x1  }
0x206: {  	v4 =	vmin.f32 v27, v4  }
0x207: {  	v27 =	vmin.f32 v4, v63;
	v4 =	vperm.xlane v2, v6  }
0x208: {  	vm0 =	veq.s32 v51, v17  }
0x209: {  	v5 =	vld [tilespmem:s0+$0x10000];
	v0 =	vsel vm0, v0, v53;
	vm1 =	veq.s32 v1, v17;
	v1 =	vmin.f32 v2, v4  }
0x20a: {  	v2 =	vld [tilespmem:$0x1FCC0];
	v1 =	vmin.f32 v0, v1  }
0x20b: {  	s31 =	sadd.s32 $0x1, s31;
	v0 =	vsel vm1, v1, v0;
	v1 =	vld [tilespmem:$0x1FCD0]  }
0x20c: {  	p0 =	sne.s32 s31, $0x200  }
.Ltmp6:
0x20d: {  	_ = 	snop;
	(pc) =	sbr.rel @p0 .LBB2_12-.Ltmp6, $4  }
0x20e: {  	v12 =	vld [tilespmem:$0x1FDF0];
	v3 =	vmin.f32 v42, v55  }
0x20f: {  	v24 =	vld [tilespmem:$0x1FE20];
	v42 =	vmin.f32 v3, v50;
	v3 =	vmin.f32 v56, v41;
	v4 =	vmin.f32 v62, v60  }
0x210: {  	v10 =	vld [tilespmem:$0x1FE00];
	v0 =	vmin.f32 v5, v0;
	v2 =	vmin.f32 v2, v57;
	v1 =	vmin.f32 v1, v61  }
0x211: {  	v11 =	vld [tilespmem:$0x1FE10];
	v5 =	vmin.f32 v59, v52;
	[tilespmem:s0+$0x10000] =	vst v0;
	v2 =	vmin.f32 v2, v54;
	v1 =	vmin.f32 v1, v49  }
0x212: {  	v0 =	vld [tilespmem:s17+$0xC000];
	_ =	sdelay $0x4  }
0x213: {  	v0 =	vadd.f32 v0, v1;
	_ =	sdelay $0x1  }
0x214: {  	[tilespmem:$0x12080] =	vst v0  }
0x215: {  	v0 =	vld [tilespmem:s18+$0xC000];
	_ =	sdelay $0x4  }
0x216: {  	v0 =	vadd.f32 v0, v27;
	_ =	sdelay $0x1  }
0x217: {  	[tilespmem:$0x12090] =	vst v0  }
0x218: {  	v0 =	vld [tilespmem:s19+$0xC000];
	_ =	sdelay $0x4  }
0x219: {  	v0 =	vadd.f32 v0, v2;
	_ =	sdelay $0x1  }
0x21a: {  	[tilespmem:$0x120A0] =	vst v0  }
0x21b: {  	v0 =	vld [tilespmem:s20+$0xC000];
	_ =	sdelay $0x4  }
0x21c: {  	v0 =	vadd.f32 v0, v5;
	_ =	sdelay $0x1  }
0x21d: {  	[tilespmem:$0x120B0] =	vst v0  }
0x21e: {  	v0 =	vld [tilespmem:s21+$0xC000];
	_ =	sdelay $0x4  }
0x21f: {  	v0 =	vadd.f32 v0, v45;
	_ =	sdelay $0x1  }
0x220: {  	[tilespmem:$0x120C0] =	vst v0  }
0x221: {  	v0 =	vld [tilespmem:s22+$0xC000];
	_ =	sdelay $0x4  }
0x222: {  	v0 =	vadd.f32 v0, v4;
	_ =	sdelay $0x1  }
0x223: {  	[tilespmem:$0x120D0] =	vst v0  }
0x224: {  	v0 =	vld [tilespmem:s26+$0xC000];
	_ =	sdelay $0x4  }
0x225: {  	v0 =	vadd.f32 v0, v42;
	_ =	sdelay $0x1  }
0x226: {  	[tilespmem:$0x120E0] =	vst v0  }
0x227: {  	v0 =	vld [tilespmem:s28+$0xC000];
	_ =	sdelay $0x4  }
0x228: {  	v0 =	vadd.f32 v0, v3;
	_ =	sdelay $0x1  }
0x229: {  	s0 =	simm.s32 $0x12000;
	[tilespmem:$0x120F0] =	vst v0  }
0x22a: {  	[hbm4b:s23+s1] =	stream.linear.scatter [tilespmem:s0], [sflag:$0x1], $0x100, $0x38;
	[tilespmem:$0x12100] =	vst v63  }
0x22b: {  	s2 =	sadd.s32 $0x1, s2;
	_ =	swait.ge [sflag:s29], $0x100  }
0x22c: {  	p0 =	sne.s32 s2, s25;
	[sflag:s29] =	ssyncset.done $0x0  }
.Ltmp7:
0x22d: {  	s31 =	simm.s32 $0x10000;
	[sflag:s29] =	ssyncadd.s32 $0xFFFFFF00;
	(pc) =	sbr.rel @p0 .LBB2_1-.Ltmp7, $4  }
0x22e: {  	[hbm4b:s24+s1] =	stream.linear.scatter [tilespmem:s31], [sflag:$0x1], $0x2000, $0x38;
	[tilespmem:$0x12100] =	vst v63  }
0x22f: {  	_ =	swait.ge [sflag:s29], $0x2000  }
0x230: {  	[sflag:s29] =	ssyncset.done $0x0  }
0x231: {  	v7 =	vimm.f32 $+Inf;
	[sflag:s29] =	ssyncadd.s32 $0xFFFFE000  }
0x232: {  	_ =	sfence.sel $0x180000  }
0x233: {  	[bflag:$0x0] =	sbarrier.arrive $0xFFFF  }
0x234: {  	_ =	strace $0x90000047  }
0x235: {  	s0 =	stileid.u32;
	[bflag:$0x2] =	sbarrier.arrive $0xFFFF  }
0x236: {  	p0 =	sne.s32 s0, $0x0;
	s0 =	rddreg [dreg:$0x1]  }
0x237: {  	s0 =	sadd.s32 @!p0 $0x100000, s0  }
0x238: {  	[sflag:s0] =	ssyncadd.tile.s32 @!p0 $0x1;
	_ =	shalt  }
.Lfunc_end2:
_tile_overlayer_lowered:
.L_overlay_start_2:
0x239: {  	(tag) =	ssettag $0x2  }
0x23a: {  	s0 =	rddreg [dreg:$0x0];
	s2 =	stileid.u32  }
0x23b: {  	s1 =	rddreg [dreg:$0x1];
	p0 =	sne.s32 s2, $0x0  }
0x23c: {  	s3 =	rddreg [dreg:$0x2];
	[bflag:$0x3] =	sbarrier.arrive $0xFFFF;
	s2 =	simm.s32 @!p0 $0x1C01  }
0x23d: {  	[timem:s3], [sflag:s2] =	dma.local @!p0 [hbm:s0], s1  }
0x23e: {  	s0 =	simm.s32 @!p0 $0x1  }
0x23f: {  	_ =	swait.ge @!p0 [sflag:s0], s1  }
0x240: {  	s1 =	ssub.s32 @!p0 $0x0, s1;
	[sflag:s0] =	ssyncset.done @!p0 $0x0  }
0x241: {  	[sflag:s0] =	ssyncadd.s32 @!p0 s1  }
0x242: {  	[bflag:$0x3] =	sbarrier.arrive $0xFFFF  }
0x243: {  	_ =	shalt  }

</sc_bundles>
